<compile_context>
chip_gen: v7x
topology: tpu7x:2x2x1
jax: 0.10.2.dev20260603
libtpu: 0.0.44.dev20260713+nightly
codegen_flags: <defaults>
</compile_context>

<pallas_src>
import functools

import jax
import jax.numpy as jnp
from jax import lax
from jax.experimental import pallas as pl
from jax.experimental.pallas import tpu as pltpu
from jax.experimental.pallas import tpu_sc as plsc

H = 128
GRIDS = (8, 8, 8)

NC = 2
NS = 16
LANES = 16
WSUB = 32
NPH = 4


def _ln(x):
    mu = jnp.mean(x, axis=-1, keepdims=True)
    var = jnp.var(x, axis=-1, keepdims=True)
    return (x - mu) / jnp.sqrt(var + 1e-5)




@functools.partial(jax.jit, static_argnames=("S", "E", "CH"))
def _segsum_cols_sc(values, idx2d, *, S, E, CH=512):
    assert E % CH == 0 and CH % 128 == 0
    nchunks = E // CH
    CHR = CH // 128
    S = -(-S // (NS * 8)) * (NS * 8)
    rps = S // NS

    mesh = plsc.VectorSubcoreMesh(core_axis_name="c", subcore_axis_name="s")

    @functools.partial(
        pl.kernel,
        out_type=jax.ShapeDtypeStruct((NPH, S, WSUB), jnp.float32),
        mesh=mesh,
        scratch_types=[
            pltpu.VMEM((CHR, 128), jnp.int32),
            pltpu.VMEM((CH, WSUB), jnp.float32),
            pltpu.VMEM((rps, WSUB), jnp.float32),
            pltpu.VMEM((rps, WSUB), jnp.float32),
            pltpu.VMEM_SHARED((S, WSUB), jnp.float32),
        ],
        compiler_params=pltpu.CompilerParams(use_tc_tiling_on_sc=False),
    )
    def k(vh, idxh, outh, idx_v, vals_v, zbuf, obuf, shared):
        c = lax.axis_index("c")
        s = lax.axis_index("s")

        def zrow(r, _):
            for j in range(WSUB // LANES):
                zbuf[r, pl.ds(j * LANES, LANES)] = jnp.zeros(
                    (LANES,), jnp.float32)
            return 0
        lax.fori_loop(0, rps, zrow, 0)
        pltpu.sync_copy(zbuf, shared.at[pl.ds(s * rps, rps)])
        plsc.subcore_barrier()

        my_n = (nchunks - s + NS - 1) // NS

        for p in range(NPH):
            n_p = jnp.where(c == p // 2, my_n, 0)

            def body(i, _, p=p):
                k0 = s + i * NS
                pltpu.sync_copy(idxh.at[pl.ds(k0 * CHR, CHR)], idx_v)
                pltpu.sync_copy(
                    vh.at[pl.ds(k0 * CH, CH), pl.ds(p * WSUB, WSUB)], vals_v)
                for u in range(CHR):
                    pltpu.sync_copy(
                        vals_v.at[pl.ds(u * 128, 128)],
                        shared.at[idx_v.at[u]], add=True)
                return 0
            lax.fori_loop(0, n_p, body, 0)
            plsc.subcore_barrier()

            @pl.when(c == p // 2)
            def _drain(p=p):
                pltpu.sync_copy(shared.at[pl.ds(s * rps, rps)], obuf)
                pltpu.sync_copy(obuf, outh.at[p, pl.ds(s * rps, rps)])
                pltpu.sync_copy(zbuf, shared.at[pl.ds(s * rps, rps)])
            plsc.subcore_barrier()

    return k(values, idx2d)


def _segsum(values, idx, S):
    E = values.shape[0]
    assert E % 512 == 0
    idx2d = idx.reshape(E // 128, 128)
    out = _segsum_cols_sc(values, idx2d, S=S, E=E)
    return jnp.concatenate([out[p] for p in range(NPH)], axis=-1)[:S]


@functools.partial(jax.jit, static_argnames=("S", "E", "CH"))
def _segsum16_sc(values, idx2d, *, S, E, CH=512):
    assert E % CH == 0 and CH % 128 == 0
    nchunks = E // CH
    CHR = CH // 128
    S = -(-S // (NS * 8)) * (NS * 8)
    rps = S // NS

    mesh = plsc.VectorSubcoreMesh(core_axis_name="c", subcore_axis_name="s")

    @functools.partial(
        pl.kernel,
        out_type=jax.ShapeDtypeStruct((NC, S, 16), jnp.float32),
        mesh=mesh,
        scratch_types=[
            pltpu.VMEM((CHR, 128), jnp.int32),
            pltpu.VMEM((CH, 16), jnp.float32),
            pltpu.VMEM((rps, 16), jnp.float32),
            pltpu.VMEM_SHARED((S, 16), jnp.float32),
        ],
        compiler_params=pltpu.CompilerParams(use_tc_tiling_on_sc=False),
    )
    def k(vh, idxh, outh, idx_v, vals_v, zbuf, shared):
        c = lax.axis_index("c")
        s = lax.axis_index("s")
        w = s * NC + c

        def zrow(r, _):
            zbuf[r, pl.ds(0, LANES)] = jnp.zeros((LANES,), jnp.float32)
            return 0
        lax.fori_loop(0, rps, zrow, 0)
        pltpu.sync_copy(zbuf, shared.at[pl.ds(s * rps, rps)])
        plsc.subcore_barrier()

        my_n = (nchunks - w + NC * NS - 1) // (NC * NS)

        def body(i, _):
            k0 = w + i * NC * NS
            pltpu.sync_copy(idxh.at[pl.ds(k0 * CHR, CHR)], idx_v)
            pltpu.sync_copy(vh.at[pl.ds(k0 * CH, CH)], vals_v)
            for u in range(CHR):
                pltpu.sync_copy(vals_v.at[pl.ds(u * 128, 128)],
                                shared.at[idx_v.at[u]], add=True)
            return 0
        lax.fori_loop(0, my_n, body, 0)
        plsc.subcore_barrier()
        pltpu.sync_copy(shared.at[pl.ds(s * rps, rps)], zbuf)
        pltpu.sync_copy(zbuf, outh.at[c, pl.ds(s * rps, rps)])

    return k(values, idx2d)


def _segsum16(values, idx, S):
    E = values.shape[0]
    assert E % 512 == 0 and values.shape[1] == 16
    idx2d = idx.reshape(E // 128, 128)
    out = _segsum16_sc(values, idx2d, S=S, E=E)
    return (out[0] + out[1])[:S]


def kernel(a_x, m_x, m, rbf3, cbf3, id3_ragged_idx, id_swap, id3_ba, id3_ca, rbf_h, idx_s, idx_t, a2m_edge_index, m2a_edge_index, a2m_edge_weights, m2a_edge_weights, a2m_edge_attr, m2a_edge_attr, W_rbf, W_cbf, W_h, W_e2a, W_attr_a2m, W_out_a2m, W_attr_m2a, W_out_m2a, W_combine, b_combine, conv_w, conv_b):
    delta_m_x = m_x
    a = _ln(a_x)
    me = _ln(m)
    x_ba = me[id3_ba]
    x3 = x_ba * (rbf3 @ W_rbf) * (cbf3 @ W_cbf)
    m2 = me.at[id3_ca].add(x3)
    m2 = m2 + m2[id_swap]
    gate = jax.nn.sigmoid(rbf_h @ W_h)
    a_agg = _segsum(m2 * gate, idx_t, a.shape[0])
    a2 = a + a_agg @ W_e2a
    mx = _ln(m_x)
    B = mx.shape[0] // (GRIDS[0] * GRIDS[1] * GRIDS[2])
    g = mx.reshape(B, GRIDS[0], GRIDS[1], GRIDS[2], H).transpose(0, 4, 1, 2, 3)
    g = jax.lax.conv_general_dilated(g, conv_w, (1, 1, 1), 'SAME',
                                     dimension_numbers=('NCDHW', 'OIDHW', 'NCDHW'))
    g = g + conv_b[None, :, None, None, None]
    mx2 = g.transpose(0, 2, 3, 4, 1).reshape(-1, H)
    EB = a2m_edge_index.shape[1]
    EBP = -(-EB // 512) * 512
    pe = EBP - EB
    src_a, dst_m = a2m_edge_index[0], a2m_edge_index[1]
    src_a, dst_m = jnp.pad(src_a, (0, pe)), jnp.pad(dst_m, (0, pe))
    w_a2m = jnp.pad(a2m_edge_weights, (0, pe))
    src_m, dst_a = m2a_edge_index[0], m2a_edge_index[1]
    src_m, dst_a = jnp.pad(src_m, (0, pe)), jnp.pad(dst_a, (0, pe))
    w_m2a = jnp.pad(m2a_edge_weights, (0, pe))
    attr_a2m = jnp.pad(a2m_edge_attr, ((0, pe), (0, 0)))
    attr_m2a = jnp.pad(m2a_edge_attr, ((0, pe), (0, 0)))
    agg_a2m = _segsum(a2[src_a] * w_a2m[:, None], dst_m, mx2.shape[0])
    attr_agg_a2m = _segsum16(attr_a2m, dst_m, mx2.shape[0])
    a2m_message = (agg_a2m + attr_agg_a2m @ W_attr_a2m) @ W_out_a2m
    a2m_message = _ln(a2m_message)
    agg_m2a = _segsum(mx2[src_m] * w_m2a[:, None], dst_a, a2.shape[0])
    attr_agg_m2a = _segsum16(attr_m2a, dst_a, a2.shape[0])
    m2a_message = (agg_m2a + attr_agg_m2a @ W_attr_m2a) @ W_out_m2a
    P1 = m2a_message @ W_combine[:H]
    P2 = m2a_message @ W_combine[H:]
    edge_msg = jax.nn.silu(P1[idx_s] + P2[idx_t] + b_combine)
    edge_msg = _ln(edge_msg)
    return (a2, mx2 + a2m_message + delta_m_x, m2 + edge_msg)

# --- scband reference (transcript-rebuilt; emitter-appended) ---
"""Pipeline reference for scband-short-long-mix-layer-57904749085215 (READ-ONLY COPY).

The authoritative reference and input builder live on the scoring server;
editing this copy changes nothing except your own understanding.
"""

import jax, jax.numpy as jnp
import numpy as np

H = 128
EH = 128
GRIDS = (8, 8, 8)
N_ATOMS = 10000
N_MESH = 8192
N_EDGES = 320000
N_TRIP = 320000
N_A2M = 200000
N_M2A = 200000
NRAD = 6
NSPH = 7
DEDGE = 16


def _ln(x):
    mu = jnp.mean(x, axis=-1, keepdims=True)
    var = jnp.var(x, axis=-1, keepdims=True)
    return (x - mu) / jnp.sqrt(var + 1e-5)


def setup_inputs(seed: int = 0):
    key = jax.random.key(seed)
    ks = jax.random.split(key, 40)
    inp = {}
    inp['a_x'] = jax.random.normal(ks[0], (N_ATOMS, H), dtype=jnp.float32)
    inp['m_x'] = jax.random.normal(ks[1], (N_MESH, H), dtype=jnp.float32)
    inp['m'] = jax.random.normal(ks[2], (N_EDGES, EH), dtype=jnp.float32)
    inp['rbf3'] = jax.random.uniform(ks[3], (N_TRIP, NRAD), dtype=jnp.float32)
    inp['cbf3'] = jax.random.uniform(ks[4], (N_TRIP, NSPH), dtype=jnp.float32)
    inp['id3_ragged_idx'] = jax.random.randint(ks[5], (N_TRIP,), 0, 30)
    inp['id_swap'] = jax.random.randint(ks[6], (N_EDGES,), 0, N_EDGES)
    inp['id3_ba'] = jax.random.randint(ks[7], (N_TRIP,), 0, N_EDGES)
    inp['id3_ca'] = jax.random.randint(ks[8], (N_TRIP,), 0, N_EDGES)
    inp['rbf_h'] = jax.random.uniform(ks[9], (N_EDGES, NRAD), dtype=jnp.float32)
    inp['idx_s'] = jax.random.randint(ks[10], (N_EDGES,), 0, N_ATOMS)
    inp['idx_t'] = jax.random.randint(ks[11], (N_EDGES,), 0, N_ATOMS)
    inp['a2m_edge_index'] = jax.random.randint(ks[12], (2, N_A2M), 0, N_MESH)
    inp['m2a_edge_index'] = jax.random.randint(ks[13], (2, N_M2A), 0, N_MESH)
    inp['a2m_edge_weights'] = jax.random.normal(ks[14], (N_A2M,), dtype=jnp.float32)
    inp['m2a_edge_weights'] = jax.random.normal(ks[15], (N_M2A,), dtype=jnp.float32)
    inp['a2m_edge_attr'] = jax.random.normal(ks[16], (N_A2M, DEDGE), dtype=jnp.float32)
    inp['m2a_edge_attr'] = jax.random.normal(ks[17], (N_M2A, DEDGE), dtype=jnp.float32)
    # learned parameters
    inp['W_rbf'] = jax.random.normal(ks[18], (NRAD, EH), dtype=jnp.float32) * 0.2
    inp['W_cbf'] = jax.random.normal(ks[19], (NSPH, EH), dtype=jnp.float32) * 0.2
    inp['W_h'] = jax.random.normal(ks[20], (NRAD, EH), dtype=jnp.float32) * 0.2
    inp['W_e2a'] = jax.random.normal(ks[21], (EH, H), dtype=jnp.float32) * 0.05
    inp['W_attr_a2m'] = jax.random.normal(ks[22], (DEDGE, H), dtype=jnp.float32) * 0.1
    inp['W_out_a2m'] = jax.random.normal(ks[23], (H, H), dtype=jnp.float32) * 0.09
    inp['W_attr_m2a'] = jax.random.normal(ks[24], (DEDGE, H), dtype=jnp.float32) * 0.1
    inp['W_out_m2a'] = jax.random.normal(ks[25], (H, H), dtype=jnp.float32) * 0.09
    inp['W_combine'] = jax.random.normal(ks[26], (2 * H, EH), dtype=jnp.float32) * 0.06
    inp['b_combine'] = jnp.zeros((EH,), dtype=jnp.float32)
    inp['conv_w'] = jax.random.normal(ks[27], (H, H, 3, 3, 3), dtype=jnp.float32) * 0.02
    inp['conv_b'] = jnp.zeros((H,), dtype=jnp.float32)
    return inp


def reference(a_x, m_x, m, rbf3, cbf3, id3_ragged_idx, id_swap, id3_ba, id3_ca, rbf_h,
              idx_s, idx_t, a2m_edge_index, m2a_edge_index, a2m_edge_weights,
              m2a_edge_weights, a2m_edge_attr, m2a_edge_attr,
              W_rbf, W_cbf, W_h, W_e2a, W_attr_a2m, W_out_a2m, W_attr_m2a, W_out_m2a,
              W_combine, b_combine, conv_w, conv_b):
    delta_m_x = m_x
    # short branch: layernorms then GemNet-style triplet interaction
    a = _ln(a_x)
    me = _ln(m)
    x_ba = me[id3_ba]
    x3 = x_ba * (rbf3 @ W_rbf) * (cbf3 @ W_cbf)
    m2 = me + jax.ops.segment_sum(x3, id3_ca, num_segments=me.shape[0])
    m2 = m2 + m2[id_swap]
    gate = jax.nn.sigmoid(rbf_h @ W_h)
    a_agg = jax.ops.segment_sum(m2 * gate, idx_t, num_segments=a.shape[0])
    a2 = a + a_agg @ W_e2a
    # long branch: 3D conv over grid (long_mp is Conv3d, not MultiheadAttention)
    mx = _ln(m_x)
    B = mx.shape[0] // (GRIDS[0] * GRIDS[1] * GRIDS[2])
    g = mx.reshape(B, GRIDS[0], GRIDS[1], GRIDS[2], H).transpose(0, 4, 1, 2, 3)
    g = jax.lax.conv_general_dilated(g, conv_w, (1, 1, 1), 'SAME',
                                     dimension_numbers=('NCDHW', 'OIDHW', 'NCDHW'))
    g = g + conv_b[None, :, None, None, None]
    mx2 = g.transpose(0, 2, 3, 4, 1).reshape(-1, H)
    # a2m message passing (atoms -> mesh)
    src_a, dst_m = a2m_edge_index[0], a2m_edge_index[1]
    msg_a2m = a2[src_a] * a2m_edge_weights[:, None] + a2m_edge_attr @ W_attr_a2m
    a2m_message = jax.ops.segment_sum(msg_a2m, dst_m, num_segments=mx2.shape[0]) @ W_out_a2m
    a2m_message = _ln(a2m_message)
    # m2a message passing (mesh -> atoms)
    src_m, dst_a = m2a_edge_index[0], m2a_edge_index[1]
    msg_m2a = mx2[src_m] * m2a_edge_weights[:, None] + m2a_edge_attr @ W_attr_m2a
    m2a_message = jax.ops.segment_sum(msg_m2a, dst_a, num_segments=a2.shape[0]) @ W_out_m2a
    m2a_j = m2a_message[idx_s]
    m2a_i = m2a_message[idx_t]
    edge_msg = jax.nn.silu(jnp.concatenate([m2a_j, m2a_i], axis=-1) @ W_combine + b_combine)
    edge_msg = _ln(edge_msg)
    return (a2, mx2 + a2m_message + delta_m_x, m2 + edge_msg)

if __name__ == "__main__":
    import jax
    _d = setup_inputs()
    print(jax.jit(kernel)(*tuple(_d.values())))

</pallas_src>

<mosaic_0001>
#map = affine_map<(d0, d1) -> (0, 0)>
#map1 = affine_map<(d0, d1) -> (0, 0, 0)>
module attributes {stable_mosaic.version = 14 : i64} {
  func.func @k(%arg0: i32, %arg1: i32, %arg2: memref<320000x128xf32, #tpu.memory_space<hbm>>, %arg3: memref<2500x128xi32, #tpu.memory_space<hbm>>, %arg4: memref<4x10112x32xf32, #tpu.memory_space<hbm>>, %arg5: memref<4x128xi32, #tpu.memory_space<vmem>>, %arg6: memref<512x32xf32, #tpu.memory_space<vmem>>, %arg7: memref<632x32xf32, #tpu.memory_space<vmem>>, %arg8: memref<632x32xf32, #tpu.memory_space<vmem>>, %arg9: memref<10112x32xf32, #tpu.memory_space<vmem_shared>>) attributes {dimension_semantics = [#tpu.dimension_semantics<core_parallel>, #tpu.dimension_semantics<subcore_parallel>], iteration_bounds = array<i64: 2, 16>, scalar_prefetch = 0 : i64, scratch_operands = 5 : i64, tpu.core_type = #tpu.core_type<sc_vector_subcore>, window_params = [{transform_indices = #map}, {transform_indices = #map}, {transform_indices = #map1}]} {
    %scan3A = arith.constant 0 : i32
    %scan3A_0 = arith.constant 0 : i32
    %scan3A_1 = arith.constant 632 : i32
    %scan3A_2 = arith.addi %scan3A_0, %scan3A_1 : i32
    %scan3A_3 = arith.constant 1 : i32
    %scan3A_4 = scf.for %scan3A_116 = %scan3A_0 to %scan3A_2 step %scan3A_3 iter_args(%scan3A_117 = %scan3A) -> (i32)  : i32 {
      %broadcast_in_dim3A = arith.constant 0.000000e+00 : f32
      %broadcast_in_dim3A_118 = vector.broadcast %broadcast_in_dim3A : f32 to vector<16xf32>
      %swap3A = arith.index_cast %scan3A_116 : i32 to index
      %swap3A_119 = arith.constant 0 : index
      %swap3A_120 = tpu.vector_load %arg7[%swap3A, %swap3A_119] {strides = array<i32>} : memref<632x32xf32, #tpu.memory_space<vmem>>, vector<1x16xf32>,
      %swap3A_121 = vector.shape_cast %swap3A_120 : vector<1x16xf32> to vector<16xf32>
      %swap3A_122 = vector.shape_cast %broadcast_in_dim3A_118 : vector<16xf32> to vector<1x16xf32>
      tpu.vector_store %arg7[%swap3A, %swap3A_119], %swap3A_122 {strides = array<i32>} : memref<632x32xf32, #tpu.memory_space<vmem>>, vector<1x16xf32>,
      %broadcast_in_dim3A_123 = arith.constant 0.000000e+00 : f32
      %broadcast_in_dim3A_124 = vector.broadcast %broadcast_in_dim3A_123 : f32 to vector<16xf32>
      %swap3A_125 = arith.index_cast %scan3A_116 : i32 to index
      %swap3A_126 = arith.constant 16 : index
      %swap3A_127 = tpu.vector_load %arg7[%swap3A_125, %swap3A_126] {strides = array<i32>} : memref<632x32xf32, #tpu.memory_space<vmem>>, vector<1x16xf32>,
      %swap3A_128 = vector.shape_cast %swap3A_127 : vector<1x16xf32> to vector<16xf32>
      %swap3A_129 = vector.shape_cast %broadcast_in_dim3A_124 : vector<16xf32> to vector<1x16xf32>
      tpu.vector_store %arg7[%swap3A_125, %swap3A_126], %swap3A_129 {strides = array<i32>} : memref<632x32xf32, #tpu.memory_space<vmem>>, vector<1x16xf32>,
      %scan3A_130 = arith.constant 0 : i32
      scf.yield %scan3A_130 : i32
    }
    %scan3A_5 = arith.constant 632 : i32
    %mul3A = arith.constant 632 : i32
    %mul3A_6 = arith.muli %arg1, %mul3A : i32
    "tpu.region"() ({
      %run_scoped3A = tpu.sem_alloc : memref<!tpu.dma_semaphore, #tpu.memory_space<semaphore_mem>>
      %dma_start3A = arith.constant 0 : i32
      %dma_start3A_116 = tpu.memref_slice %arg9[%mul3A_6, %dma_start3A] : memref<10112x32xf32, #tpu.memory_space<vmem_shared>> -> memref<632x32xf32, #tpu.memory_space<vmem_shared>>
      %dma_start3A_117 = arith.constant 0 : i32
      %dma_start3A_118 = tpu.memref_slice %arg9[%mul3A_6, %dma_start3A_117] : memref<10112x32xf32, #tpu.memory_space<vmem_shared>> -> memref<632x32xf32, #tpu.memory_space<vmem_shared>>
      tpu.enqueue_dma source(%arg7 : memref<632x32xf32, #tpu.memory_space<vmem>>) target(%dma_start3A_118 : memref<632x32xf32, #tpu.memory_space<vmem_shared>>) target_semaphore(%run_scoped3A : memref<!tpu.dma_semaphore, #tpu.memory_space<semaphore_mem>>)
      %dma_wait3A = arith.constant 0 : i32
      %dma_wait3A_119 = tpu.memref_slice %arg9[%mul3A_6, %dma_wait3A] : memref<10112x32xf32, #tpu.memory_space<vmem_shared>> -> memref<632x32xf32, #tpu.memory_space<vmem_shared>>
      %dma_wait3A_120 = arith.constant 0 : i32
      %dma_wait3A_121 = tpu.memref_slice %arg9[%mul3A_6, %dma_wait3A_120] : memref<10112x32xf32, #tpu.memory_space<vmem_shared>> -> memref<632x32xf32, #tpu.memory_space<vmem_shared>>
      tpu.wait_dma2 semaphore(%run_scoped3A : memref<!tpu.dma_semaphore, #tpu.memory_space<semaphore_mem>>) src(%arg7 : memref<632x32xf32, #tpu.memory_space<vmem>>) dst(%dma_wait3A_121 : memref<632x32xf32, #tpu.memory_space<vmem_shared>>)
      tpu.yield
    }) : () -> ()
    %barrier3A = arith.constant 0 : index
    tpu.barrier barrier_id(%barrier3A)
    %sub3A = arith.constant 625 : i32
    %sub3A_7 = arith.subi %sub3A, %arg1 : i32
    %add3A = arith.constant 16 : i32
    %add3A_8 = arith.addi %sub3A_7, %add3A : i32
    %sub3A_9 = arith.constant 1 : i32
    %sub3A_10 = arith.subi %add3A_8, %sub3A_9 : i32
    %jit3A = arith.constant 16 : i32
    %div3A = arith.divsi %sub3A_10, %jit3A : i32
    %sign3A = arith.constant 0 : i32
    %sign3A_11 = arith.cmpi sgt, %sub3A_10, %sign3A : i32
    %sign3A_12 = arith.extui %sign3A_11 : i1 to i32
    %sign3A_13 = arith.constant 0 : i32
    %sign3A_14 = arith.cmpi slt, %sub3A_10, %sign3A_13 : i32
    %sign3A_15 = arith.extui %sign3A_14 : i1 to i32
    %sign3A_16 = arith.subi %sign3A_12, %sign3A_15 : i32
    %sign3A_17 = arith.constant 0 : i32
    %sign3A_18 = arith.cmpi sgt, %jit3A, %sign3A_17 : i32
    %sign3A_19 = arith.extui %sign3A_18 : i1 to i32
    %sign3A_20 = arith.constant 0 : i32
    %sign3A_21 = arith.cmpi slt, %jit3A, %sign3A_20 : i32
    %sign3A_22 = arith.extui %sign3A_21 : i1 to i32
    %sign3A_23 = arith.subi %sign3A_19, %sign3A_22 : i32
    %ne3A = arith.cmpi ne, %sign3A_16, %sign3A_23 : i32
    %rem3A = arith.remsi %sub3A_10, %jit3A : i32
    %ne3A_24 = arith.constant 0 : i32
    %ne3A_25 = arith.cmpi ne, %rem3A, %ne3A_24 : i32
    %and3A = arith.andi %ne3A, %ne3A_25 : i1
    %sub3A_26 = arith.constant 1 : i32
    %sub3A_27 = arith.subi %div3A, %sub3A_26 : i32
    %select_n3A = arith.select %and3A, %sub3A_27, %div3A : i32
    %eq3A = arith.constant 0 : i32
    %eq3A_28 = arith.cmpi eq, %arg0, %eq3A : i32
    %jit3A_29 = arith.constant 0 : i32
    %select_n3A_30 = arith.select %eq3A_28, %select_n3A, %jit3A_29 : i32
    %while3A = arith.constant 0 : i32
    %while3A_31 = arith.constant 0 : i32
    %while3A_32 = arith.subi %select_n3A_30, %while3A : i32
    %while3A_33 = arith.addi %while3A, %while3A_32 : i32
    %while3A_34 = arith.constant 1 : i32
    %while3A_35 = arith.divsi %while3A_32, %while3A_34 : i32
    %while3A_36 = arith.muli %while3A_35, %while3A_34 : i32
    %while3A_37 = arith.addi %while3A, %while3A_36 : i32
    %while3A_38 = arith.constant 1 : i32
    %while3A_39 = scf.for %while3A_116 = %while3A to %while3A_37 step %while3A_38 iter_args(%while3A_117 = %while3A_31) -> (i32)  : i32 {
      %mul3A_118 = arith.constant 16 : i32
      %mul3A_119 = arith.muli %while3A_116, %mul3A_118 : i32
      %add3A_120 = arith.addi %arg1, %mul3A_119 : i32
      %mul3A_121 = arith.constant 4 : i32
      %mul3A_122 = arith.muli %add3A_120, %mul3A_121 : i32
      "tpu.region"() ({
        %run_scoped3A_129 = tpu.sem_alloc : memref<!tpu.dma_semaphore, #tpu.memory_space<semaphore_mem>>
        %dma_start3A = arith.constant 0 : i32
        %dma_start3A_130 = tpu.memref_slice %arg3[%mul3A_122, %dma_start3A] : memref<2500x128xi32, #tpu.memory_space<hbm>> -> memref<4x128xi32, #tpu.memory_space<hbm>>
        %dma_start3A_131 = arith.constant 0 : i32
        %dma_start3A_132 = tpu.memref_slice %arg3[%mul3A_122, %dma_start3A_131] : memref<2500x128xi32, #tpu.memory_space<hbm>> -> memref<4x128xi32, #tpu.memory_space<hbm>>
        tpu.enqueue_dma source(%dma_start3A_132 : memref<4x128xi32, #tpu.memory_space<hbm>>) target(%arg5 : memref<4x128xi32, #tpu.memory_space<vmem>>) target_semaphore(%run_scoped3A_129 : memref<!tpu.dma_semaphore, #tpu.memory_space<semaphore_mem>>)
        %dma_wait3A = arith.constant 0 : i32
        %dma_wait3A_133 = tpu.memref_slice %arg3[%mul3A_122, %dma_wait3A] : memref<2500x128xi32, #tpu.memory_space<hbm>> -> memref<4x128xi32, #tpu.memory_space<hbm>>
        %dma_wait3A_134 = arith.constant 0 : i32
        %dma_wait3A_135 = tpu.memref_slice %arg3[%mul3A_122, %dma_wait3A_134] : memref<2500x128xi32, #tpu.memory_space<hbm>> -> memref<4x128xi32, #tpu.memory_space<hbm>>
        tpu.wait_dma2 semaphore(%run_scoped3A_129 : memref<!tpu.dma_semaphore, #tpu.memory_space<semaphore_mem>>) src(%dma_wait3A_135 : memref<4x128xi32, #tpu.memory_space<hbm>>) dst(%arg5 : memref<4x128xi32, #tpu.memory_space<vmem>>)
        tpu.yield
      }) : () -> ()
      %mul3A_123 = arith.constant 512 : i32
      %mul3A_124 = arith.muli %add3A_120, %mul3A_123 : i32
      "tpu.region"() ({
        %run_scoped3A_129 = tpu.sem_alloc : memref<!tpu.dma_semaphore, #tpu.memory_space<semaphore_mem>>
        %dma_start3A = arith.constant 0 : i32
        %dma_start3A_130 = tpu.memref_slice %arg2[%mul3A_124, %dma_start3A] : memref<320000x128xf32, #tpu.memory_space<hbm>> -> memref<512x32xf32, #tpu.memory_space<hbm>>
        %dma_start3A_131 = arith.constant 0 : i32
        %dma_start3A_132 = tpu.memref_slice %arg2[%mul3A_124, %dma_start3A_131] : memref<320000x128xf32, #tpu.memory_space<hbm>> -> memref<512x32xf32, #tpu.memory_space<hbm>>
        tpu.enqueue_dma source(%dma_start3A_132 : memref<512x32xf32, #tpu.memory_space<hbm>>) target(%arg6 : memref<512x32xf32, #tpu.memory_space<vmem>>) target_semaphore(%run_scoped3A_129 : memref<!tpu.dma_semaphore, #tpu.memory_space<semaphore_mem>>)
        %dma_wait3A = arith.constant 0 : i32
        %dma_wait3A_133 = tpu.memref_slice %arg2[%mul3A_124, %dma_wait3A] : memref<320000x128xf32, #tpu.memory_space<hbm>> -> memref<512x32xf32, #tpu.memory_space<hbm>>
        %dma_wait3A_134 = arith.constant 0 : i32
        %dma_wait3A_135 = tpu.memref_slice %arg2[%mul3A_124, %dma_wait3A_134] : memref<320000x128xf32, #tpu.memory_space<hbm>> -> memref<512x32xf32, #tpu.memory_space<hbm>>
        tpu.wait_dma2 semaphore(%run_scoped3A_129 : memref<!tpu.dma_semaphore, #tpu.memory_space<semaphore_mem>>) src(%dma_wait3A_135 : memref<512x32xf32, #tpu.memory_space<hbm>>) dst(%arg6 : memref<512x32xf32, #tpu.memory_space<vmem>>)
        tpu.yield
      }) : () -> ()
      %run_scoped3A = arith.constant 0 : i32
      "tpu.region"() ({
        %run_scoped3A_129 = tpu.sem_alloc : memref<!tpu.dma_semaphore, #tpu.memory_space<semaphore_mem>>
        %dma_start3A = arith.constant 0 : i32
        %dma_start3A_130 = arith.constant 0 : i32
        %dma_start3A_131 = tpu.memref_slice %arg6[%dma_start3A, %dma_start3A_130] : memref<512x32xf32, #tpu.memory_space<vmem>> -> memref<128x32xf32, #tpu.memory_space<vmem>>
        %dma_start3A_132 = arith.constant 0 : i32
        %dma_start3A_133 = tpu.memref_slice %arg5[%run_scoped3A, %dma_start3A_132] : memref<4x128xi32, #tpu.memory_space<vmem>> -> memref<1x128xi32, #tpu.memory_space<vmem>>
        %dma_start3A_134 = tpu.memref_squeeze %dma_start3A_133 : memref<1x128xi32, #tpu.memory_space<vmem>> -> memref<128xi32, #tpu.memory_space<vmem>>
        %dma_start3A_135 = arith.constant 0 : i32
        %dma_start3A_136 = arith.constant 0 : i32
        %dma_start3A_137 = tpu.memref_slice %arg9[%dma_start3A_135, %dma_start3A_136] : memref<10112x32xf32, #tpu.memory_space<vmem_shared>> -> memref<10112x32xf32, #tpu.memory_space<vmem_shared>>
        tpu.enqueue_indirect_dma source(%dma_start3A_131 : memref<128x32xf32, #tpu.memory_space<vmem>>) target(%dma_start3A_137 : memref<10112x32xf32, #tpu.memory_space<vmem_shared>>) offsets(%dma_start3A_134 : memref<128xi32, #tpu.memory_space<vmem>>) semaphore(%run_scoped3A_129 : memref<!tpu.dma_semaphore, #tpu.memory_space<semaphore_mem>>) {add = true}
        %dma_wait3A = arith.constant 0 : i32
        %dma_wait3A_138 = arith.constant 0 : i32
        %dma_wait3A_139 = tpu.memref_slice %arg6[%dma_wait3A, %dma_wait3A_138] : memref<512x32xf32, #tpu.memory_space<vmem>> -> memref<128x32xf32, #tpu.memory_space<vmem>>
        %dma_wait3A_140 = arith.constant 0 : i32
        %dma_wait3A_141 = tpu.memref_slice %arg5[%run_scoped3A, %dma_wait3A_140] : memref<4x128xi32, #tpu.memory_space<vmem>> -> memref<1x128xi32, #tpu.memory_space<vmem>>
        %dma_wait3A_142 = tpu.memref_squeeze %dma_wait3A_141 : memref<1x128xi32, #tpu.memory_space<vmem>> -> memref<128xi32, #tpu.memory_space<vmem>>
        %dma_wait3A_143 = arith.constant 0 : i32
        %dma_wait3A_144 = arith.constant 0 : i32
        %dma_wait3A_145 = tpu.memref_slice %arg9[%dma_wait3A_143, %dma_wait3A_144] : memref<10112x32xf32, #tpu.memory_space<vmem_shared>> -> memref<10112x32xf32, #tpu.memory_space<vmem_shared>>
        tpu.wait_indirect_dma semaphore(%run_scoped3A_129 : memref<!tpu.dma_semaphore, #tpu.memory_space<semaphore_mem>>) src(%dma_wait3A_139 : memref<128x32xf32, #tpu.memory_space<vmem>>) dst(%dma_wait3A_145 : memref<10112x32xf32, #tpu.memory_space<vmem_shared>>)
        tpu.yield
      }) : () -> ()
      %run_scoped3A_125 = arith.constant 1 : i32
      "tpu.region"() ({
        %run_scoped3A_129 = tpu.sem_alloc : memref<!tpu.dma_semaphore, #tpu.memory_space<semaphore_mem>>
        %dma_start3A = arith.constant 128 : i32
        %dma_start3A_130 = arith.constant 0 : i32
        %dma_start3A_131 = tpu.memref_slice %arg6[%dma_start3A, %dma_start3A_130] : memref<512x32xf32, #tpu.memory_space<vmem>> -> memref<128x32xf32, #tpu.memory_space<vmem>>
        %dma_start3A_132 = arith.constant 0 : i32
        %dma_start3A_133 = tpu.memref_slice %arg5[%run_scoped3A_125, %dma_start3A_132] : memref<4x128xi32, #tpu.memory_space<vmem>> -> memref<1x128xi32, #tpu.memory_space<vmem>>
        %dma_start3A_134 = tpu.memref_squeeze %dma_start3A_133 : memref<1x128xi32, #tpu.memory_space<vmem>> -> memref<128xi32, #tpu.memory_space<vmem>>
        %dma_start3A_135 = arith.constant 0 : i32
        %dma_start3A_136 = arith.constant 0 : i32
        %dma_start3A_137 = tpu.memref_slice %arg9[%dma_start3A_135, %dma_start3A_136] : memref<10112x32xf32, #tpu.memory_space<vmem_shared>> -> memref<10112x32xf32, #tpu.memory_space<vmem_shared>>
        tpu.enqueue_indirect_dma source(%dma_start3A_131 : memref<128x32xf32, #tpu.memory_space<vmem>>) target(%dma_start3A_137 : memref<10112x32xf32, #tpu.memory_space<vmem_shared>>) offsets(%dma_start3A_134 : memref<128xi32, #tpu.memory_space<vmem>>) semaphore(%run_scoped3A_129 : memref<!tpu.dma_semaphore, #tpu.memory_space<semaphore_mem>>) {add = true}
        %dma_wait3A = arith.constant 128 : i32
        %dma_wait3A_138 = arith.constant 0 : i32
        %dma_wait3A_139 = tpu.memref_slice %arg6[%dma_wait3A, %dma_wait3A_138] : memref<512x32xf32, #tpu.memory_space<vmem>> -> memref<128x32xf32, #tpu.memory_space<vmem>>
        %dma_wait3A_140 = arith.constant 0 : i32
        %dma_wait3A_141 = tpu.memref_slice %arg5[%run_scoped3A_125, %dma_wait3A_140] : memref<4x128xi32, #tpu.memory_space<vmem>> -> memref<1x128xi32, #tpu.memory_space<vmem>>
        %dma_wait3A_142 = tpu.memref_squeeze %dma_wait3A_141 : memref<1x128xi32, #tpu.memory_space<vmem>> -> memref<128xi32, #tpu.memory_space<vmem>>
        %dma_wait3A_143 = arith.constant 0 : i32
        %dma_wait3A_144 = arith.constant 0 : i32
        %dma_wait3A_145 = tpu.memref_slice %arg9[%dma_wait3A_143, %dma_wait3A_144] : memref<10112x32xf32, #tpu.memory_space<vmem_shared>> -> memref<10112x32xf32, #tpu.memory_space<vmem_shared>>
        tpu.wait_indirect_dma semaphore(%run_scoped3A_129 : memref<!tpu.dma_semaphore, #tpu.memory_space<semaphore_mem>>) src(%dma_wait3A_139 : memref<128x32xf32, #tpu.memory_space<vmem>>) dst(%dma_wait3A_145 : memref<10112x32xf32, #tpu.memory_space<vmem_shared>>)
        tpu.yield
      }) : () -> ()
      %run_scoped3A_126 = arith.constant 2 : i32
      "tpu.region"() ({
        %run_scoped3A_129 = tpu.sem_alloc : memref<!tpu.dma_semaphore, #tpu.memory_space<semaphore_mem>>
        %dma_start3A = arith.constant 256 : i32
        %dma_start3A_130 = arith.constant 0 : i32
        %dma_start3A_131 = tpu.memref_slice %arg6[%dma_start3A, %dma_start3A_130] : memref<512x32xf32, #tpu.memory_space<vmem>> -> memref<128x32xf32, #tpu.memory_space<vmem>>
        %dma_start3A_132 = arith.constant 0 : i32
        %dma_start3A_133 = tpu.memref_slice %arg5[%run_scoped3A_126, %dma_start3A_132] : memref<4x128xi32, #tpu.memory_space<vmem>> -> memref<1x128xi32, #tpu.memory_space<vmem>>
        %dma_start3A_134 = tpu.memref_squeeze %dma_start3A_133 : memref<1x128xi32, #tpu.memory_space<vmem>> -> memref<128xi32, #tpu.memory_space<vmem>>
        %dma_start3A_135 = arith.constant 0 : i32
        %dma_start3A_136 = arith.constant 0 : i32
        %dma_start3A_137 = tpu.memref_slice %arg9[%dma_start3A_135, %dma_start3A_136] : memref<10112x32xf32, #tpu.memory_space<vmem_shared>> -> memref<10112x32xf32, #tpu.memory_space<vmem_shared>>
        tpu.enqueue_indirect_dma source(%dma_start3A_131 : memref<128x32xf32, #tpu.memory_space<vmem>>) target(%dma_start3A_137 : memref<10112x32xf32, #tpu.memory_space<vmem_shared>>) offsets(%dma_start3A_134 : memref<128xi32, #tpu.memory_space<vmem>>) semaphore(%run_scoped3A_129 : memref<!tpu.dma_semaphore, #tpu.memory_space<semaphore_mem>>) {add = true}
        %dma_wait3A = arith.constant 256 : i32
        %dma_wait3A_138 = arith.constant 0 : i32
        %dma_wait3A_139 = tpu.memref_slice %arg6[%dma_wait3A, %dma_wait3A_138] : memref<512x32xf32, #tpu.memory_space<vmem>> -> memref<128x32xf32, #tpu.memory_space<vmem>>
        %dma_wait3A_140 = arith.constant 0 : i32
        %dma_wait3A_141 = tpu.memref_slice %arg5[%run_scoped3A_126, %dma_wait3A_140] : memref<4x128xi32, #tpu.memory_space<vmem>> -> memref<1x128xi32, #tpu.memory_space<vmem>>
        %dma_wait3A_142 = tpu.memref_squeeze %dma_wait3A_141 : memref<1x128xi32, #tpu.memory_space<vmem>> -> memref<128xi32, #tpu.memory_space<vmem>>
        %dma_wait3A_143 = arith.constant 0 : i32
        %dma_wait3A_144 = arith.constant 0 : i32
        %dma_wait3A_145 = tpu.memref_slice %arg9[%dma_wait3A_143, %dma_wait3A_144] : memref<10112x32xf32, #tpu.memory_space<vmem_shared>> -> memref<10112x32xf32, #tpu.memory_space<vmem_shared>>
        tpu.wait_indirect_dma semaphore(%run_scoped3A_129 : memref<!tpu.dma_semaphore, #tpu.memory_space<semaphore_mem>>) src(%dma_wait3A_139 : memref<128x32xf32, #tpu.memory_space<vmem>>) dst(%dma_wait3A_145 : memref<10112x32xf32, #tpu.memory_space<vmem_shared>>)
        tpu.yield
      }) : () -> ()
      %run_scoped3A_127 = arith.constant 3 : i32
      "tpu.region"() ({
        %run_scoped3A_129 = tpu.sem_alloc : memref<!tpu.dma_semaphore, #tpu.memory_space<semaphore_mem>>
        %dma_start3A = arith.constant 384 : i32
        %dma_start3A_130 = arith.constant 0 : i32
        %dma_start3A_131 = tpu.memref_slice %arg6[%dma_start3A, %dma_start3A_130] : memref<512x32xf32, #tpu.memory_space<vmem>> -> memref<128x32xf32, #tpu.memory_space<vmem>>
        %dma_start3A_132 = arith.constant 0 : i32
        %dma_start3A_133 = tpu.memref_slice %arg5[%run_scoped3A_127, %dma_start3A_132] : memref<4x128xi32, #tpu.memory_space<vmem>> -> memref<1x128xi32, #tpu.memory_space<vmem>>
        %dma_start3A_134 = tpu.memref_squeeze %dma_start3A_133 : memref<1x128xi32, #tpu.memory_space<vmem>> -> memref<128xi32, #tpu.memory_space<vmem>>
        %dma_start3A_135 = arith.constant 0 : i32
        %dma_start3A_136 = arith.constant 0 : i32
        %dma_start3A_137 = tpu.memref_slice %arg9[%dma_start3A_135, %dma_start3A_136] : memref<10112x32xf32, #tpu.memory_space<vmem_shared>> -> memref<10112x32xf32, #tpu.memory_space<vmem_shared>>
        tpu.enqueue_indirect_dma source(%dma_start3A_131 : memref<128x32xf32, #tpu.memory_space<vmem>>) target(%dma_start3A_137 : memref<10112x32xf32, #tpu.memory_space<vmem_shared>>) offsets(%dma_start3A_134 : memref<128xi32, #tpu.memory_space<vmem>>) semaphore(%run_scoped3A_129 : memref<!tpu.dma_semaphore, #tpu.memory_space<semaphore_mem>>) {add = true}
        %dma_wait3A = arith.constant 384 : i32
        %dma_wait3A_138 = arith.constant 0 : i32
        %dma_wait3A_139 = tpu.memref_slice %arg6[%dma_wait3A, %dma_wait3A_138] : memref<512x32xf32, #tpu.memory_space<vmem>> -> memref<128x32xf32, #tpu.memory_space<vmem>>
        %dma_wait3A_140 = arith.constant 0 : i32
        %dma_wait3A_141 = tpu.memref_slice %arg5[%run_scoped3A_127, %dma_wait3A_140] : memref<4x128xi32, #tpu.memory_space<vmem>> -> memref<1x128xi32, #tpu.memory_space<vmem>>
        %dma_wait3A_142 = tpu.memref_squeeze %dma_wait3A_141 : memref<1x128xi32, #tpu.memory_space<vmem>> -> memref<128xi32, #tpu.memory_space<vmem>>
        %dma_wait3A_143 = arith.constant 0 : i32
        %dma_wait3A_144 = arith.constant 0 : i32
        %dma_wait3A_145 = tpu.memref_slice %arg9[%dma_wait3A_143, %dma_wait3A_144] : memref<10112x32xf32, #tpu.memory_space<vmem_shared>> -> memref<10112x32xf32, #tpu.memory_space<vmem_shared>>
        tpu.wait_indirect_dma semaphore(%run_scoped3A_129 : memref<!tpu.dma_semaphore, #tpu.memory_space<semaphore_mem>>) src(%dma_wait3A_139 : memref<128x32xf32, #tpu.memory_space<vmem>>) dst(%dma_wait3A_145 : memref<10112x32xf32, #tpu.memory_space<vmem_shared>>)
        tpu.yield
      }) : () -> ()
      %while3A_128 = arith.constant 0 : i32
      scf.yield %while3A_128 : i32
    }
    %while3A_40 = arith.constant 1 : i32
    %while3A_41 = scf.for %while3A_116 = %while3A_37 to %while3A_33 step %while3A_40 iter_args(%while3A_117 = %while3A_39) -> (i32)  : i32 {
      %mul3A_118 = arith.constant 16 : i32
      %mul3A_119 = arith.muli %while3A_116, %mul3A_118 : i32
      %add3A_120 = arith.addi %arg1, %mul3A_119 : i32
      %mul3A_121 = arith.constant 4 : i32
      %mul3A_122 = arith.muli %add3A_120, %mul3A_121 : i32
      "tpu.region"() ({
        %run_scoped3A_129 = tpu.sem_alloc : memref<!tpu.dma_semaphore, #tpu.memory_space<semaphore_mem>>
        %dma_start3A = arith.constant 0 : i32
        %dma_start3A_130 = tpu.memref_slice %arg3[%mul3A_122, %dma_start3A] : memref<2500x128xi32, #tpu.memory_space<hbm>> -> memref<4x128xi32, #tpu.memory_space<hbm>>
        %dma_start3A_131 = arith.constant 0 : i32
        %dma_start3A_132 = tpu.memref_slice %arg3[%mul3A_122, %dma_start3A_131] : memref<2500x128xi32, #tpu.memory_space<hbm>> -> memref<4x128xi32, #tpu.memory_space<hbm>>
        tpu.enqueue_dma source(%dma_start3A_132 : memref<4x128xi32, #tpu.memory_space<hbm>>) target(%arg5 : memref<4x128xi32, #tpu.memory_space<vmem>>) target_semaphore(%run_scoped3A_129 : memref<!tpu.dma_semaphore, #tpu.memory_space<semaphore_mem>>)
        %dma_wait3A = arith.constant 0 : i32
        %dma_wait3A_133 = tpu.memref_slice %arg3[%mul3A_122, %dma_wait3A] : memref<2500x128xi32, #tpu.memory_space<hbm>> -> memref<4x128xi32, #tpu.memory_space<hbm>>
        %dma_wait3A_134 = arith.constant 0 : i32
        %dma_wait3A_135 = tpu.memref_slice %arg3[%mul3A_122, %dma_wait3A_134] : memref<2500x128xi32, #tpu.memory_space<hbm>> -> memref<4x128xi32, #tpu.memory_space<hbm>>
        tpu.wait_dma2 semaphore(%run_scoped3A_129 : memref<!tpu.dma_semaphore, #tpu.memory_space<semaphore_mem>>) src(%dma_wait3A_135 : memref<4x128xi32, #tpu.memory_space<hbm>>) dst(%arg5 : memref<4x128xi32, #tpu.memory_space<vmem>>)
        tpu.yield
      }) : () -> ()
      %mul3A_123 = arith.constant 512 : i32
      %mul3A_124 = arith.muli %add3A_120, %mul3A_123 : i32
      "tpu.region"() ({
        %run_scoped3A_129 = tpu.sem_alloc : memref<!tpu.dma_semaphore, #tpu.memory_space<semaphore_mem>>
        %dma_start3A = arith.constant 0 : i32
        %dma_start3A_130 = tpu.memref_slice %arg2[%mul3A_124, %dma_start3A] : memref<320000x128xf32, #tpu.memory_space<hbm>> -> memref<512x32xf32, #tpu.memory_space<hbm>>
        %dma_start3A_131 = arith.constant 0 : i32
        %dma_start3A_132 = tpu.memref_slice %arg2[%mul3A_124, %dma_start3A_131] : memref<320000x128xf32, #tpu.memory_space<hbm>> -> memref<512x32xf32, #tpu.memory_space<hbm>>
        tpu.enqueue_dma source(%dma_start3A_132 : memref<512x32xf32, #tpu.memory_space<hbm>>) target(%arg6 : memref<512x32xf32, #tpu.memory_space<vmem>>) target_semaphore(%run_scoped3A_129 : memref<!tpu.dma_semaphore, #tpu.memory_space<semaphore_mem>>)
        %dma_wait3A = arith.constant 0 : i32
        %dma_wait3A_133 = tpu.memref_slice %arg2[%mul3A_124, %dma_wait3A] : memref<320000x128xf32, #tpu.memory_space<hbm>> -> memref<512x32xf32, #tpu.memory_space<hbm>>
        %dma_wait3A_134 = arith.constant 0 : i32
        %dma_wait3A_135 = tpu.memref_slice %arg2[%mul3A_124, %dma_wait3A_134] : memref<320000x128xf32, #tpu.memory_space<hbm>> -> memref<512x32xf32, #tpu.memory_space<hbm>>
        tpu.wait_dma2 semaphore(%run_scoped3A_129 : memref<!tpu.dma_semaphore, #tpu.memory_space<semaphore_mem>>) src(%dma_wait3A_135 : memref<512x32xf32, #tpu.memory_space<hbm>>) dst(%arg6 : memref<512x32xf32, #tpu.memory_space<vmem>>)
        tpu.yield
      }) : () -> ()
      %run_scoped3A = arith.constant 0 : i32
      "tpu.region"() ({
        %run_scoped3A_129 = tpu.sem_alloc : memref<!tpu.dma_semaphore, #tpu.memory_space<semaphore_mem>>
        %dma_start3A = arith.constant 0 : i32
        %dma_start3A_130 = arith.constant 0 : i32
        %dma_start3A_131 = tpu.memref_slice %arg6[%dma_start3A, %dma_start3A_130] : memref<512x32xf32, #tpu.memory_space<vmem>> -> memref<128x32xf32, #tpu.memory_space<vmem>>
        %dma_start3A_132 = arith.constant 0 : i32
        %dma_start3A_133 = tpu.memref_slice %arg5[%run_scoped3A, %dma_start3A_132] : memref<4x128xi32, #tpu.memory_space<vmem>> -> memref<1x128xi32, #tpu.memory_space<vmem>>
        %dma_start3A_134 = tpu.memref_squeeze %dma_start3A_133 : memref<1x128xi32, #tpu.memory_space<vmem>> -> memref<128xi32, #tpu.memory_space<vmem>>
        %dma_start3A_135 = arith.constant 0 : i32
        %dma_start3A_136 = arith.constant 0 : i32
        %dma_start3A_137 = tpu.memref_slice %arg9[%dma_start3A_135, %dma_start3A_136] : memref<10112x32xf32, #tpu.memory_space<vmem_shared>> -> memref<10112x32xf32, #tpu.memory_space<vmem_shared>>
        tpu.enqueue_indirect_dma source(%dma_start3A_131 : memref<128x32xf32, #tpu.memory_space<vmem>>) target(%dma_start3A_137 : memref<10112x32xf32, #tpu.memory_space<vmem_shared>>) offsets(%dma_start3A_134 : memref<128xi32, #tpu.memory_space<vmem>>) semaphore(%run_scoped3A_129 : memref<!tpu.dma_semaphore, #tpu.memory_space<semaphore_mem>>) {add = true}
        %dma_wait3A = arith.constant 0 : i32
        %dma_wait3A_138 = arith.constant 0 : i32
        %dma_wait3A_139 = tpu.memref_slice %arg6[%dma_wait3A, %dma_wait3A_138] : memref<512x32xf32, #tpu.memory_space<vmem>> -> memref<128x32xf32, #tpu.memory_space<vmem>>
        %dma_wait3A_140 = arith.constant 0 : i32
        %dma_wait3A_141 = tpu.memref_slice %arg5[%run_scoped3A, %dma_wait3A_140] : memref<4x128xi32, #tpu.memory_space<vmem>> -> memref<1x128xi32, #tpu.memory_space<vmem>>
        %dma_wait3A_142 = tpu.memref_squeeze %dma_wait3A_141 : memref<1x128xi32, #tpu.memory_space<vmem>> -> memref<128xi32, #tpu.memory_space<vmem>>
        %dma_wait3A_143 = arith.constant 0 : i32
        %dma_wait3A_144 = arith.constant 0 : i32
        %dma_wait3A_145 = tpu.memref_slice %arg9[%dma_wait3A_143, %dma_wait3A_144] : memref<10112x32xf32, #tpu.memory_space<vmem_shared>> -> memref<10112x32xf32, #tpu.memory_space<vmem_shared>>
        tpu.wait_indirect_dma semaphore(%run_scoped3A_129 : memref<!tpu.dma_semaphore, #tpu.memory_space<semaphore_mem>>) src(%dma_wait3A_139 : memref<128x32xf32, #tpu.memory_space<vmem>>) dst(%dma_wait3A_145 : memref<10112x32xf32, #tpu.memory_space<vmem_shared>>)
        tpu.yield
      }) : () -> ()
      %run_scoped3A_125 = arith.constant 1 : i32
      "tpu.region"() ({
        %run_scoped3A_129 = tpu.sem_alloc : memref<!tpu.dma_semaphore, #tpu.memory_space<semaphore_mem>>
        %dma_start3A = arith.constant 128 : i32
        %dma_start3A_130 = arith.constant 0 : i32
        %dma_start3A_131 = tpu.memref_slice %arg6[%dma_start3A, %dma_start3A_130] : memref<512x32xf32, #tpu.memory_space<vmem>> -> memref<128x32xf32, #tpu.memory_space<vmem>>
        %dma_start3A_132 = arith.constant 0 : i32
        %dma_start3A_133 = tpu.memref_slice %arg5[%run_scoped3A_125, %dma_start3A_132] : memref<4x128xi32, #tpu.memory_space<vmem>> -> memref<1x128xi32, #tpu.memory_space<vmem>>
        %dma_start3A_134 = tpu.memref_squeeze %dma_start3A_133 : memref<1x128xi32, #tpu.memory_space<vmem>> -> memref<128xi32, #tpu.memory_space<vmem>>
        %dma_start3A_135 = arith.constant 0 : i32
        %dma_start3A_136 = arith.constant 0 : i32
        %dma_start3A_137 = tpu.memref_slice %arg9[%dma_start3A_135, %dma_start3A_136] : memref<10112x32xf32, #tpu.memory_space<vmem_shared>> -> memref<10112x32xf32, #tpu.memory_space<vmem_shared>>
        tpu.enqueue_indirect_dma source(%dma_start3A_131 : memref<128x32xf32, #tpu.memory_space<vmem>>) target(%dma_start3A_137 : memref<10112x32xf32, #tpu.memory_space<vmem_shared>>) offsets(%dma_start3A_134 : memref<128xi32, #tpu.memory_space<vmem>>) semaphore(%run_scoped3A_129 : memref<!tpu.dma_semaphore, #tpu.memory_space<semaphore_mem>>) {add = true}
        %dma_wait3A = arith.constant 128 : i32
        %dma_wait3A_138 = arith.constant 0 : i32
        %dma_wait3A_139 = tpu.memref_slice %arg6[%dma_wait3A, %dma_wait3A_138] : memref<512x32xf32, #tpu.memory_space<vmem>> -> memref<128x32xf32, #tpu.memory_space<vmem>>
        %dma_wait3A_140 = arith.constant 0 : i32
        %dma_wait3A_141 = tpu.memref_slice %arg5[%run_scoped3A_125, %dma_wait3A_140] : memref<4x128xi32, #tpu.memory_space<vmem>> -> memref<1x128xi32, #tpu.memory_space<vmem>>
        %dma_wait3A_142 = tpu.memref_squeeze %dma_wait3A_141 : memref<1x128xi32, #tpu.memory_space<vmem>> -> memref<128xi32, #tpu.memory_space<vmem>>
        %dma_wait3A_143 = arith.constant 0 : i32
        %dma_wait3A_144 = arith.constant 0 : i32
        %dma_wait3A_145 = tpu.memref_slice %arg9[%dma_wait3A_143, %dma_wait3A_144] : memref<10112x32xf32, #tpu.memory_space<vmem_shared>> -> memref<10112x32xf32, #tpu.memory_space<vmem_shared>>
        tpu.wait_indirect_dma semaphore(%run_scoped3A_129 : memref<!tpu.dma_semaphore, #tpu.memory_space<semaphore_mem>>) src(%dma_wait3A_139 : memref<128x32xf32, #tpu.memory_space<vmem>>) dst(%dma_wait3A_145 : memref<10112x32xf32, #tpu.memory_space<vmem_shared>>)
        tpu.yield
      }) : () -> ()
      %run_scoped3A_126 = arith.constant 2 : i32
      "tpu.region"() ({
        %run_scoped3A_129 = tpu.sem_alloc : memref<!tpu.dma_semaphore, #tpu.memory_space<semaphore_mem>>
        %dma_start3A = arith.constant 256 : i32
        %dma_start3A_130 = arith.constant 0 : i32
        %dma_start3A_131 = tpu.memref_slice %arg6[%dma_start3A, %dma_start3A_130] : memref<512x32xf32, #tpu.memory_space<vmem>> -> memref<128x32xf32, #tpu.memory_space<vmem>>
        %dma_start3A_132 = arith.constant 0 : i32
        %dma_start3A_133 = tpu.memref_slice %arg5[%run_scoped3A_126, %dma_start3A_132] : memref<4x128xi32, #tpu.memory_space<vmem>> -> memref<1x128xi32, #tpu.memory_space<vmem>>
        %dma_start3A_134 = tpu.memref_squeeze %dma_start3A_133 : memref<1x128xi32, #tpu.memory_space<vmem>> -> memref<128xi32, #tpu.memory_space<vmem>>
        %dma_start3A_135 = arith.constant 0 : i32
        %dma_start3A_136 = arith.constant 0 : i32
        %dma_start3A_137 = tpu.memref_slice %arg9[%dma_start3A_135, %dma_start3A_136] : memref<10112x32xf32, #tpu.memory_space<vmem_shared>> -> memref<10112x32xf32, #tpu.memory_space<vmem_shared>>
        tpu.enqueue_indirect_dma source(%dma_start3A_131 : memref<128x32xf32, #tpu.memory_space<vmem>>) target(%dma_start3A_137 : memref<10112x32xf32, #tpu.memory_space<vmem_shared>>) offsets(%dma_start3A_134 : memref<128xi32, #tpu.memory_space<vmem>>) semaphore(%run_scoped3A_129 : memref<!tpu.dma_semaphore, #tpu.memory_space<semaphore_mem>>) {add = true}
        %dma_wait3A = arith.constant 256 : i32
        %dma_wait3A_138 = arith.constant 0 : i32
        %dma_wait3A_139 = tpu.memref_slice %arg6[%dma_wait3A, %dma_wait3A_138] : memref<512x32xf32, #tpu.memory_space<vmem>> -> memref<128x32xf32, #tpu.memory_space<vmem>>
        %dma_wait3A_140 = arith.constant 0 : i32
        %dma_wait3A_141 = tpu.memref_slice %arg5[%run_scoped3A_126, %dma_wait3A_140] : memref<4x128xi32, #tpu.memory_space<vmem>> -> memref<1x128xi32, #tpu.memory_space<vmem>>
        %dma_wait3A_142 = tpu.memref_squeeze %dma_wait3A_141 : memref<1x128xi32, #tpu.memory_space<vmem>> -> memref<128xi32, #tpu.memory_space<vmem>>
        %dma_wait3A_143 = arith.constant 0 : i32
        %dma_wait3A_144 = arith.constant 0 : i32
        %dma_wait3A_145 = tpu.memref_slice %arg9[%dma_wait3A_143, %dma_wait3A_144] : memref<10112x32xf32, #tpu.memory_space<vmem_shared>> -> memref<10112x32xf32, #tpu.memory_space<vmem_shared>>
        tpu.wait_indirect_dma semaphore(%run_scoped3A_129 : memref<!tpu.dma_semaphore, #tpu.memory_space<semaphore_mem>>) src(%dma_wait3A_139 : memref<128x32xf32, #tpu.memory_space<vmem>>) dst(%dma_wait3A_145 : memref<10112x32xf32, #tpu.memory_space<vmem_shared>>)
        tpu.yield
      }) : () -> ()
      %run_scoped3A_127 = arith.constant 3 : i32
      "tpu.region"() ({
        %run_scoped3A_129 = tpu.sem_alloc : memref<!tpu.dma_semaphore, #tpu.memory_space<semaphore_mem>>
        %dma_start3A = arith.constant 384 : i32
        %dma_start3A_130 = arith.constant 0 : i32
        %dma_start3A_131 = tpu.memref_slice %arg6[%dma_start3A, %dma_start3A_130] : memref<512x32xf32, #tpu.memory_space<vmem>> -> memref<128x32xf32, #tpu.memory_space<vmem>>
        %dma_start3A_132 = arith.constant 0 : i32
        %dma_start3A_133 = tpu.memref_slice %arg5[%run_scoped3A_127, %dma_start3A_132] : memref<4x128xi32, #tpu.memory_space<vmem>> -> memref<1x128xi32, #tpu.memory_space<vmem>>
        %dma_start3A_134 = tpu.memref_squeeze %dma_start3A_133 : memref<1x128xi32, #tpu.memory_space<vmem>> -> memref<128xi32, #tpu.memory_space<vmem>>
        %dma_start3A_135 = arith.constant 0 : i32
        %dma_start3A_136 = arith.constant 0 : i32
        %dma_start3A_137 = tpu.memref_slice %arg9[%dma_start3A_135, %dma_start3A_136] : memref<10112x32xf32, #tpu.memory_space<vmem_shared>> -> memref<10112x32xf32, #tpu.memory_space<vmem_shared>>
        tpu.enqueue_indirect_dma source(%dma_start3A_131 : memref<128x32xf32, #tpu.memory_space<vmem>>) target(%dma_start3A_137 : memref<10112x32xf32, #tpu.memory_space<vmem_shared>>) offsets(%dma_start3A_134 : memref<128xi32, #tpu.memory_space<vmem>>) semaphore(%run_scoped3A_129 : memref<!tpu.dma_semaphore, #tpu.memory_space<semaphore_mem>>) {add = true}
        %dma_wait3A = arith.constant 384 : i32
        %dma_wait3A_138 = arith.constant 0 : i32
        %dma_wait3A_139 = tpu.memref_slice %arg6[%dma_wait3A, %dma_wait3A_138] : memref<512x32xf32, #tpu.memory_space<vmem>> -> memref<128x32xf32, #tpu.memory_space<vmem>>
        %dma_wait3A_140 = arith.constant 0 : i32
        %dma_wait3A_141 = tpu.memref_slice %arg5[%run_scoped3A_127, %dma_wait3A_140] : memref<4x128xi32, #tpu.memory_space<vmem>> -> memref<1x128xi32, #tpu.memory_space<vmem>>
        %dma_wait3A_142 = tpu.memref_squeeze %dma_wait3A_141 : memref<1x128xi32, #tpu.memory_space<vmem>> -> memref<128xi32, #tpu.memory_space<vmem>>
        %dma_wait3A_143 = arith.constant 0 : i32
        %dma_wait3A_144 = arith.constant 0 : i32
        %dma_wait3A_145 = tpu.memref_slice %arg9[%dma_wait3A_143, %dma_wait3A_144] : memref<10112x32xf32, #tpu.memory_space<vmem_shared>> -> memref<10112x32xf32, #tpu.memory_space<vmem_shared>>
        tpu.wait_indirect_dma semaphore(%run_scoped3A_129 : memref<!tpu.dma_semaphore, #tpu.memory_space<semaphore_mem>>) src(%dma_wait3A_139 : memref<128x32xf32, #tpu.memory_space<vmem>>) dst(%dma_wait3A_145 : memref<10112x32xf32, #tpu.memory_space<vmem_shared>>)
        tpu.yield
      }) : () -> ()
      %while3A_128 = arith.constant 0 : i32
      scf.yield %while3A_128 : i32
    }
    %barrier3A_42 = arith.constant 0 : index
    tpu.barrier barrier_id(%barrier3A_42)
    %eq3A_43 = arith.constant 0 : i32
    %eq3A_44 = arith.cmpi eq, %arg0, %eq3A_43 : i32
    %convert_element_type3A = arith.extui %eq3A_44 : i1 to i32
    %cond3A = arith.constant 0 : i32
    %cond3A_45 = arith.cmpi ne, %convert_element_type3A, %cond3A : i32
    scf.if %cond3A_45 {
      %mul3A_116 = arith.constant 632 : i32
      %mul3A_117 = arith.muli %arg1, %mul3A_116 : i32
      "tpu.region"() ({
        %run_scoped3A_122 = tpu.sem_alloc : memref<!tpu.dma_semaphore, #tpu.memory_space<semaphore_mem>>
        %dma_start3A = arith.constant 0 : i32
        %dma_start3A_123 = tpu.memref_slice %arg9[%mul3A_117, %dma_start3A] : memref<10112x32xf32, #tpu.memory_space<vmem_shared>> -> memref<632x32xf32, #tpu.memory_space<vmem_shared>>
        %dma_start3A_124 = arith.constant 0 : i32
        %dma_start3A_125 = tpu.memref_slice %arg9[%mul3A_117, %dma_start3A_124] : memref<10112x32xf32, #tpu.memory_space<vmem_shared>> -> memref<632x32xf32, #tpu.memory_space<vmem_shared>>
        tpu.enqueue_dma source(%dma_start3A_125 : memref<632x32xf32, #tpu.memory_space<vmem_shared>>) target(%arg8 : memref<632x32xf32, #tpu.memory_space<vmem>>) target_semaphore(%run_scoped3A_122 : memref<!tpu.dma_semaphore, #tpu.memory_space<semaphore_mem>>)
        %dma_wait3A = arith.constant 0 : i32
        %dma_wait3A_126 = tpu.memref_slice %arg9[%mul3A_117, %dma_wait3A] : memref<10112x32xf32, #tpu.memory_space<vmem_shared>> -> memref<632x32xf32, #tpu.memory_space<vmem_shared>>
        %dma_wait3A_127 = arith.constant 0 : i32
        %dma_wait3A_128 = tpu.memref_slice %arg9[%mul3A_117, %dma_wait3A_127] : memref<10112x32xf32, #tpu.memory_space<vmem_shared>> -> memref<632x32xf32, #tpu.memory_space<vmem_shared>>
        tpu.wait_dma2 semaphore(%run_scoped3A_122 : memref<!tpu.dma_semaphore, #tpu.memory_space<semaphore_mem>>) src(%dma_wait3A_128 : memref<632x32xf32, #tpu.memory_space<vmem_shared>>) dst(%arg8 : memref<632x32xf32, #tpu.memory_space<vmem>>)
        tpu.yield
      }) : () -> ()
      %mul3A_118 = arith.constant 632 : i32
      %mul3A_119 = arith.muli %arg1, %mul3A_118 : i32
      %run_scoped3A = arith.constant 0 : i32
      "tpu.region"() ({
        %run_scoped3A_122 = tpu.sem_alloc : memref<!tpu.dma_semaphore, #tpu.memory_space<semaphore_mem>>
        %dma_start3A = arith.constant 0 : i32
        %dma_start3A_123 = tpu.memref_slice %arg4[%run_scoped3A, %mul3A_119, %dma_start3A] : memref<4x10112x32xf32, #tpu.memory_space<hbm>> -> memref<1x632x32xf32, #tpu.memory_space<hbm>>
        %dma_start3A_124 = tpu.memref_squeeze %dma_start3A_123 : memref<1x632x32xf32, #tpu.memory_space<hbm>> -> memref<632x32xf32, #tpu.memory_space<hbm>>
        %dma_start3A_125 = arith.constant 0 : i32
        %dma_start3A_126 = tpu.memref_slice %arg4[%run_scoped3A, %mul3A_119, %dma_start3A_125] : memref<4x10112x32xf32, #tpu.memory_space<hbm>> -> memref<1x632x32xf32, #tpu.memory_space<hbm>>
        %dma_start3A_127 = tpu.memref_squeeze %dma_start3A_126 : memref<1x632x32xf32, #tpu.memory_space<hbm>> -> memref<632x32xf32, #tpu.memory_space<hbm>>
        tpu.enqueue_dma source(%arg8 : memref<632x32xf32, #tpu.memory_space<vmem>>) target(%dma_start3A_127 : memref<632x32xf32, #tpu.memory_space<hbm>>) target_semaphore(%run_scoped3A_122 : memref<!tpu.dma_semaphore, #tpu.memory_space<semaphore_mem>>)
        %dma_wait3A = arith.constant 0 : i32
        %dma_wait3A_128 = tpu.memref_slice %arg4[%run_scoped3A, %mul3A_119, %dma_wait3A] : memref<4x10112x32xf32, #tpu.memory_space<hbm>> -> memref<1x632x32xf32, #tpu.memory_space<hbm>>
        %dma_wait3A_129 = tpu.memref_squeeze %dma_wait3A_128 : memref<1x632x32xf32, #tpu.memory_space<hbm>> -> memref<632x32xf32, #tpu.memory_space<hbm>>
        %dma_wait3A_130 = arith.constant 0 : i32
        %dma_wait3A_131 = tpu.memref_slice %arg4[%run_scoped3A, %mul3A_119, %dma_wait3A_130] : memref<4x10112x32xf32, #tpu.memory_space<hbm>> -> memref<1x632x32xf32, #tpu.memory_space<hbm>>
        %dma_wait3A_132 = tpu.memref_squeeze %dma_wait3A_131 : memref<1x632x32xf32, #tpu.memory_space<hbm>> -> memref<632x32xf32, #tpu.memory_space<hbm>>
        tpu.wait_dma2 semaphore(%run_scoped3A_122 : memref<!tpu.dma_semaphore, #tpu.memory_space<semaphore_mem>>) src(%arg8 : memref<632x32xf32, #tpu.memory_space<vmem>>) dst(%dma_wait3A_132 : memref<632x32xf32, #tpu.memory_space<hbm>>)
        tpu.yield
      }) : () -> ()
      %mul3A_120 = arith.constant 632 : i32
      %mul3A_121 = arith.muli %arg1, %mul3A_120 : i32
      "tpu.region"() ({
        %run_scoped3A_122 = tpu.sem_alloc : memref<!tpu.dma_semaphore, #tpu.memory_space<semaphore_mem>>
        %dma_start3A = arith.constant 0 : i32
        %dma_start3A_123 = tpu.memref_slice %arg9[%mul3A_121, %dma_start3A] : memref<10112x32xf32, #tpu.memory_space<vmem_shared>> -> memref<632x32xf32, #tpu.memory_space<vmem_shared>>
        %dma_start3A_124 = arith.constant 0 : i32
        %dma_start3A_125 = tpu.memref_slice %arg9[%mul3A_121, %dma_start3A_124] : memref<10112x32xf32, #tpu.memory_space<vmem_shared>> -> memref<632x32xf32, #tpu.memory_space<vmem_shared>>
        tpu.enqueue_dma source(%arg7 : memref<632x32xf32, #tpu.memory_space<vmem>>) target(%dma_start3A_125 : memref<632x32xf32, #tpu.memory_space<vmem_shared>>) target_semaphore(%run_scoped3A_122 : memref<!tpu.dma_semaphore, #tpu.memory_space<semaphore_mem>>)
        %dma_wait3A = arith.constant 0 : i32
        %dma_wait3A_126 = tpu.memref_slice %arg9[%mul3A_121, %dma_wait3A] : memref<10112x32xf32, #tpu.memory_space<vmem_shared>> -> memref<632x32xf32, #tpu.memory_space<vmem_shared>>
        %dma_wait3A_127 = arith.constant 0 : i32
        %dma_wait3A_128 = tpu.memref_slice %arg9[%mul3A_121, %dma_wait3A_127] : memref<10112x32xf32, #tpu.memory_space<vmem_shared>> -> memref<632x32xf32, #tpu.memory_space<vmem_shared>>
        tpu.wait_dma2 semaphore(%run_scoped3A_122 : memref<!tpu.dma_semaphore, #tpu.memory_space<semaphore_mem>>) src(%arg7 : memref<632x32xf32, #tpu.memory_space<vmem>>) dst(%dma_wait3A_128 : memref<632x32xf32, #tpu.memory_space<vmem_shared>>)
        tpu.yield
      }) : () -> ()
    } else {
    }
    %barrier3A_46 = arith.constant 0 : index
    tpu.barrier barrier_id(%barrier3A_46)
    %eq3A_47 = arith.constant 0 : i32
    %eq3A_48 = arith.cmpi eq, %arg0, %eq3A_47 : i32
    %jit3A_49 = arith.constant 0 : i32
    %select_n3A_50 = arith.select %eq3A_48, %select_n3A, %jit3A_49 : i32
    %while3A_51 = arith.constant 0 : i32
    %while3A_52 = arith.constant 0 : i32
    %while3A_53 = arith.subi %select_n3A_50, %while3A_51 : i32
    %while3A_54 = arith.addi %while3A_51, %while3A_53 : i32
    %while3A_55 = arith.constant 1 : i32
    %while3A_56 = arith.divsi %while3A_53, %while3A_55 : i32
    %while3A_57 = arith.muli %while3A_56, %while3A_55 : i32
    %while3A_58 = arith.addi %while3A_51, %while3A_57 : i32
    %while3A_59 = arith.constant 1 : i32
    %while3A_60 = scf.for %while3A_116 = %while3A_51 to %while3A_58 step %while3A_59 iter_args(%while3A_117 = %while3A_52) -> (i32)  : i32 {
      %mul3A_118 = arith.constant 16 : i32
      %mul3A_119 = arith.muli %while3A_116, %mul3A_118 : i32
      %add3A_120 = arith.addi %arg1, %mul3A_119 : i32
      %mul3A_121 = arith.constant 4 : i32
      %mul3A_122 = arith.muli %add3A_120, %mul3A_121 : i32
      "tpu.region"() ({
        %run_scoped3A_129 = tpu.sem_alloc : memref<!tpu.dma_semaphore, #tpu.memory_space<semaphore_mem>>
        %dma_start3A = arith.constant 0 : i32
        %dma_start3A_130 = tpu.memref_slice %arg3[%mul3A_122, %dma_start3A] : memref<2500x128xi32, #tpu.memory_space<hbm>> -> memref<4x128xi32, #tpu.memory_space<hbm>>
        %dma_start3A_131 = arith.constant 0 : i32
        %dma_start3A_132 = tpu.memref_slice %arg3[%mul3A_122, %dma_start3A_131] : memref<2500x128xi32, #tpu.memory_space<hbm>> -> memref<4x128xi32, #tpu.memory_space<hbm>>
        tpu.enqueue_dma source(%dma_start3A_132 : memref<4x128xi32, #tpu.memory_space<hbm>>) target(%arg5 : memref<4x128xi32, #tpu.memory_space<vmem>>) target_semaphore(%run_scoped3A_129 : memref<!tpu.dma_semaphore, #tpu.memory_space<semaphore_mem>>)
        %dma_wait3A = arith.constant 0 : i32
        %dma_wait3A_133 = tpu.memref_slice %arg3[%mul3A_122, %dma_wait3A] : memref<2500x128xi32, #tpu.memory_space<hbm>> -> memref<4x128xi32, #tpu.memory_space<hbm>>
        %dma_wait3A_134 = arith.constant 0 : i32
        %dma_wait3A_135 = tpu.memref_slice %arg3[%mul3A_122, %dma_wait3A_134] : memref<2500x128xi32, #tpu.memory_space<hbm>> -> memref<4x128xi32, #tpu.memory_space<hbm>>
        tpu.wait_dma2 semaphore(%run_scoped3A_129 : memref<!tpu.dma_semaphore, #tpu.memory_space<semaphore_mem>>) src(%dma_wait3A_135 : memref<4x128xi32, #tpu.memory_space<hbm>>) dst(%arg5 : memref<4x128xi32, #tpu.memory_space<vmem>>)
        tpu.yield
      }) : () -> ()
      %mul3A_123 = arith.constant 512 : i32
      %mul3A_124 = arith.muli %add3A_120, %mul3A_123 : i32
      "tpu.region"() ({
        %run_scoped3A_129 = tpu.sem_alloc : memref<!tpu.dma_semaphore, #tpu.memory_space<semaphore_mem>>
        %dma_start3A = arith.constant 32 : i32
        %dma_start3A_130 = tpu.memref_slice %arg2[%mul3A_124, %dma_start3A] : memref<320000x128xf32, #tpu.memory_space<hbm>> -> memref<512x32xf32, #tpu.memory_space<hbm>>
        %dma_start3A_131 = arith.constant 32 : i32
        %dma_start3A_132 = tpu.memref_slice %arg2[%mul3A_124, %dma_start3A_131] : memref<320000x128xf32, #tpu.memory_space<hbm>> -> memref<512x32xf32, #tpu.memory_space<hbm>>
        tpu.enqueue_dma source(%dma_start3A_132 : memref<512x32xf32, #tpu.memory_space<hbm>>) target(%arg6 : memref<512x32xf32, #tpu.memory_space<vmem>>) target_semaphore(%run_scoped3A_129 : memref<!tpu.dma_semaphore, #tpu.memory_space<semaphore_mem>>)
        %dma_wait3A = arith.constant 32 : i32
        %dma_wait3A_133 = tpu.memref_slice %arg2[%mul3A_124, %dma_wait3A] : memref<320000x128xf32, #tpu.memory_space<hbm>> -> memref<512x32xf32, #tpu.memory_space<hbm>>
        %dma_wait3A_134 = arith.constant 32 : i32
        %dma_wait3A_135 = tpu.memref_slice %arg2[%mul3A_124, %dma_wait3A_134] : memref<320000x128xf32, #tpu.memory_space<hbm>> -> memref<512x32xf32, #tpu.memory_space<hbm>>
        tpu.wait_dma2 semaphore(%run_scoped3A_129 : memref<!tpu.dma_semaphore, #tpu.memory_space<semaphore_mem>>) src(%dma_wait3A_135 : memref<512x32xf32, #tpu.memory_space<hbm>>) dst(%arg6 : memref<512x32xf32, #tpu.memory_space<vmem>>)
        tpu.yield
      }) : () -> ()
      %run_scoped3A = arith.constant 0 : i32
      "tpu.region"() ({
        %run_scoped3A_129 = tpu.sem_alloc : memref<!tpu.dma_semaphore, #tpu.memory_space<semaphore_mem>>
        %dma_start3A = arith.constant 0 : i32
        %dma_start3A_130 = arith.constant 0 : i32
        %dma_start3A_131 = tpu.memref_slice %arg6[%dma_start3A, %dma_start3A_130] : memref<512x32xf32, #tpu.memory_space<vmem>> -> memref<128x32xf32, #tpu.memory_space<vmem>>
        %dma_start3A_132 = arith.constant 0 : i32
        %dma_start3A_133 = tpu.memref_slice %arg5[%run_scoped3A, %dma_start3A_132] : memref<4x128xi32, #tpu.memory_space<vmem>> -> memref<1x128xi32, #tpu.memory_space<vmem>>
        %dma_start3A_134 = tpu.memref_squeeze %dma_start3A_133 : memref<1x128xi32, #tpu.memory_space<vmem>> -> memref<128xi32, #tpu.memory_space<vmem>>
        %dma_start3A_135 = arith.constant 0 : i32
        %dma_start3A_136 = arith.constant 0 : i32
        %dma_start3A_137 = tpu.memref_slice %arg9[%dma_start3A_135, %dma_start3A_136] : memref<10112x32xf32, #tpu.memory_space<vmem_shared>> -> memref<10112x32xf32, #tpu.memory_space<vmem_shared>>
        tpu.enqueue_indirect_dma source(%dma_start3A_131 : memref<128x32xf32, #tpu.memory_space<vmem>>) target(%dma_start3A_137 : memref<10112x32xf32, #tpu.memory_space<vmem_shared>>) offsets(%dma_start3A_134 : memref<128xi32, #tpu.memory_space<vmem>>) semaphore(%run_scoped3A_129 : memref<!tpu.dma_semaphore, #tpu.memory_space<semaphore_mem>>) {add = true}
        %dma_wait3A = arith.constant 0 : i32
        %dma_wait3A_138 = arith.constant 0 : i32
        %dma_wait3A_139 = tpu.memref_slice %arg6[%dma_wait3A, %dma_wait3A_138] : memref<512x32xf32, #tpu.memory_space<vmem>> -> memref<128x32xf32, #tpu.memory_space<vmem>>
        %dma_wait3A_140 = arith.constant 0 : i32
        %dma_wait3A_141 = tpu.memref_slice %arg5[%run_scoped3A, %dma_wait3A_140] : memref<4x128xi32, #tpu.memory_space<vmem>> -> memref<1x128xi32, #tpu.memory_space<vmem>>
        %dma_wait3A_142 = tpu.memref_squeeze %dma_wait3A_141 : memref<1x128xi32, #tpu.memory_space<vmem>> -> memref<128xi32, #tpu.memory_space<vmem>>
        %dma_wait3A_143 = arith.constant 0 : i32
        %dma_wait3A_144 = arith.constant 0 : i32
        %dma_wait3A_145 = tpu.memref_slice %arg9[%dma_wait3A_143, %dma_wait3A_144] : memref<10112x32xf32, #tpu.memory_space<vmem_shared>> -> memref<10112x32xf32, #tpu.memory_space<vmem_shared>>
        tpu.wait_indirect_dma semaphore(%run_scoped3A_129 : memref<!tpu.dma_semaphore, #tpu.memory_space<semaphore_mem>>) src(%dma_wait3A_139 : memref<128x32xf32, #tpu.memory_space<vmem>>) dst(%dma_wait3A_145 : memref<10112x32xf32, #tpu.memory_space<vmem_shared>>)
        tpu.yield
      }) : () -> ()
      %run_scoped3A_125 = arith.constant 1 : i32
      "tpu.region"() ({
        %run_scoped3A_129 = tpu.sem_alloc : memref<!tpu.dma_semaphore, #tpu.memory_space<semaphore_mem>>
        %dma_start3A = arith.constant 128 : i32
        %dma_start3A_130 = arith.constant 0 : i32
        %dma_start3A_131 = tpu.memref_slice %arg6[%dma_start3A, %dma_start3A_130] : memref<512x32xf32, #tpu.memory_space<vmem>> -> memref<128x32xf32, #tpu.memory_space<vmem>>
        %dma_start3A_132 = arith.constant 0 : i32
        %dma_start3A_133 = tpu.memref_slice %arg5[%run_scoped3A_125, %dma_start3A_132] : memref<4x128xi32, #tpu.memory_space<vmem>> -> memref<1x128xi32, #tpu.memory_space<vmem>>
        %dma_start3A_134 = tpu.memref_squeeze %dma_start3A_133 : memref<1x128xi32, #tpu.memory_space<vmem>> -> memref<128xi32, #tpu.memory_space<vmem>>
        %dma_start3A_135 = arith.constant 0 : i32
        %dma_start3A_136 = arith.constant 0 : i32
        %dma_start3A_137 = tpu.memref_slice %arg9[%dma_start3A_135, %dma_start3A_136] : memref<10112x32xf32, #tpu.memory_space<vmem_shared>> -> memref<10112x32xf32, #tpu.memory_space<vmem_shared>>
        tpu.enqueue_indirect_dma source(%dma_start3A_131 : memref<128x32xf32, #tpu.memory_space<vmem>>) target(%dma_start3A_137 : memref<10112x32xf32, #tpu.memory_space<vmem_shared>>) offsets(%dma_start3A_134 : memref<128xi32, #tpu.memory_space<vmem>>) semaphore(%run_scoped3A_129 : memref<!tpu.dma_semaphore, #tpu.memory_space<semaphore_mem>>) {add = true}
        %dma_wait3A = arith.constant 128 : i32
        %dma_wait3A_138 = arith.constant 0 : i32
        %dma_wait3A_139 = tpu.memref_slice %arg6[%dma_wait3A, %dma_wait3A_138] : memref<512x32xf32, #tpu.memory_space<vmem>> -> memref<128x32xf32, #tpu.memory_space<vmem>>
        %dma_wait3A_140 = arith.constant 0 : i32
        %dma_wait3A_141 = tpu.memref_slice %arg5[%run_scoped3A_125, %dma_wait3A_140] : memref<4x128xi32, #tpu.memory_space<vmem>> -> memref<1x128xi32, #tpu.memory_space<vmem>>
        %dma_wait3A_142 = tpu.memref_squeeze %dma_wait3A_141 : memref<1x128xi32, #tpu.memory_space<vmem>> -> memref<128xi32, #tpu.memory_space<vmem>>
        %dma_wait3A_143 = arith.constant 0 : i32
        %dma_wait3A_144 = arith.constant 0 : i32
        %dma_wait3A_145 = tpu.memref_slice %arg9[%dma_wait3A_143, %dma_wait3A_144] : memref<10112x32xf32, #tpu.memory_space<vmem_shared>> -> memref<10112x32xf32, #tpu.memory_space<vmem_shared>>
        tpu.wait_indirect_dma semaphore(%run_scoped3A_129 : memref<!tpu.dma_semaphore, #tpu.memory_space<semaphore_mem>>) src(%dma_wait3A_139 : memref<128x32xf32, #tpu.memory_space<vmem>>) dst(%dma_wait3A_145 : memref<10112x32xf32, #tpu.memory_space<vmem_shared>>)
        tpu.yield
      }) : () -> ()
      %run_scoped3A_126 = arith.constant 2 : i32
      "tpu.region"() ({
        %run_scoped3A_129 = tpu.sem_alloc : memref<!tpu.dma_semaphore, #tpu.memory_space<semaphore_mem>>
        %dma_start3A = arith.constant 256 : i32
        %dma_start3A_130 = arith.constant 0 : i32
        %dma_start3A_131 = tpu.memref_slice %arg6[%dma_start3A, %dma_start3A_130] : memref<512x32xf32, #tpu.memory_space<vmem>> -> memref<128x32xf32, #tpu.memory_space<vmem>>
        %dma_start3A_132 = arith.constant 0 : i32
        %dma_start3A_133 = tpu.memref_slice %arg5[%run_scoped3A_126, %dma_start3A_132] : memref<4x128xi32, #tpu.memory_space<vmem>> -> memref<1x128xi32, #tpu.memory_space<vmem>>
        %dma_start3A_134 = tpu.memref_squeeze %dma_start3A_133 : memref<1x128xi32, #tpu.memory_space<vmem>> -> memref<128xi32, #tpu.memory_space<vmem>>
        %dma_start3A_135 = arith.constant 0 : i32
        %dma_start3A_136 = arith.constant 0 : i32
        %dma_start3A_137 = tpu.memref_slice %arg9[%dma_start3A_135, %dma_start3A_136] : memref<10112x32xf32, #tpu.memory_space<vmem_shared>> -> memref<10112x32xf32, #tpu.memory_space<vmem_shared>>
        tpu.enqueue_indirect_dma source(%dma_start3A_131 : memref<128x32xf32, #tpu.memory_space<vmem>>) target(%dma_start3A_137 : memref<10112x32xf32, #tpu.memory_space<vmem_shared>>) offsets(%dma_start3A_134 : memref<128xi32, #tpu.memory_space<vmem>>) semaphore(%run_scoped3A_129 : memref<!tpu.dma_semaphore, #tpu.memory_space<semaphore_mem>>) {add = true}
        %dma_wait3A = arith.constant 256 : i32
        %dma_wait3A_138 = arith.constant 0 : i32
        %dma_wait3A_139 = tpu.memref_slice %arg6[%dma_wait3A, %dma_wait3A_138] : memref<512x32xf32, #tpu.memory_space<vmem>> -> memref<128x32xf32, #tpu.memory_space<vmem>>
        %dma_wait3A_140 = arith.constant 0 : i32
        %dma_wait3A_141 = tpu.memref_slice %arg5[%run_scoped3A_126, %dma_wait3A_140] : memref<4x128xi32, #tpu.memory_space<vmem>> -> memref<1x128xi32, #tpu.memory_space<vmem>>
        %dma_wait3A_142 = tpu.memref_squeeze %dma_wait3A_141 : memref<1x128xi32, #tpu.memory_space<vmem>> -> memref<128xi32, #tpu.memory_space<vmem>>
        %dma_wait3A_143 = arith.constant 0 : i32
        %dma_wait3A_144 = arith.constant 0 : i32
        %dma_wait3A_145 = tpu.memref_slice %arg9[%dma_wait3A_143, %dma_wait3A_144] : memref<10112x32xf32, #tpu.memory_space<vmem_shared>> -> memref<10112x32xf32, #tpu.memory_space<vmem_shared>>
        tpu.wait_indirect_dma semaphore(%run_scoped3A_129 : memref<!tpu.dma_semaphore, #tpu.memory_space<semaphore_mem>>) src(%dma_wait3A_139 : memref<128x32xf32, #tpu.memory_space<vmem>>) dst(%dma_wait3A_145 : memref<10112x32xf32, #tpu.memory_space<vmem_shared>>)
        tpu.yield
      }) : () -> ()
      %run_scoped3A_127 = arith.constant 3 : i32
      "tpu.region"() ({
        %run_scoped3A_129 = tpu.sem_alloc : memref<!tpu.dma_semaphore, #tpu.memory_space<semaphore_mem>>
        %dma_start3A = arith.constant 384 : i32
        %dma_start3A_130 = arith.constant 0 : i32
        %dma_start3A_131 = tpu.memref_slice %arg6[%dma_start3A, %dma_start3A_130] : memref<512x32xf32, #tpu.memory_space<vmem>> -> memref<128x32xf32, #tpu.memory_space<vmem>>
        %dma_start3A_132 = arith.constant 0 : i32
        %dma_start3A_133 = tpu.memref_slice %arg5[%run_scoped3A_127, %dma_start3A_132] : memref<4x128xi32, #tpu.memory_space<vmem>> -> memref<1x128xi32, #tpu.memory_space<vmem>>
        %dma_start3A_134 = tpu.memref_squeeze %dma_start3A_133 : memref<1x128xi32, #tpu.memory_space<vmem>> -> memref<128xi32, #tpu.memory_space<vmem>>
        %dma_start3A_135 = arith.constant 0 : i32
        %dma_start3A_136 = arith.constant 0 : i32
        %dma_start3A_137 = tpu.memref_slice %arg9[%dma_start3A_135, %dma_start3A_136] : memref<10112x32xf32, #tpu.memory_space<vmem_shared>> -> memref<10112x32xf32, #tpu.memory_space<vmem_shared>>
        tpu.enqueue_indirect_dma source(%dma_start3A_131 : memref<128x32xf32, #tpu.memory_space<vmem>>) target(%dma_start3A_137 : memref<10112x32xf32, #tpu.memory_space<vmem_shared>>) offsets(%dma_start3A_134 : memref<128xi32, #tpu.memory_space<vmem>>) semaphore(%run_scoped3A_129 : memref<!tpu.dma_semaphore, #tpu.memory_space<semaphore_mem>>) {add = true}
        %dma_wait3A = arith.constant 384 : i32
        %dma_wait3A_138 = arith.constant 0 : i32
        %dma_wait3A_139 = tpu.memref_slice %arg6[%dma_wait3A, %dma_wait3A_138] : memref<512x32xf32, #tpu.memory_space<vmem>> -> memref<128x32xf32, #tpu.memory_space<vmem>>
        %dma_wait3A_140 = arith.constant 0 : i32
        %dma_wait3A_141 = tpu.memref_slice %arg5[%run_scoped3A_127, %dma_wait3A_140] : memref<4x128xi32, #tpu.memory_space<vmem>> -> memref<1x128xi32, #tpu.memory_space<vmem>>
        %dma_wait3A_142 = tpu.memref_squeeze %dma_wait3A_141 : memref<1x128xi32, #tpu.memory_space<vmem>> -> memref<128xi32, #tpu.memory_space<vmem>>
        %dma_wait3A_143 = arith.constant 0 : i32
        %dma_wait3A_144 = arith.constant 0 : i32
        %dma_wait3A_145 = tpu.memref_slice %arg9[%dma_wait3A_143, %dma_wait3A_144] : memref<10112x32xf32, #tpu.memory_space<vmem_shared>> -> memref<10112x32xf32, #tpu.memory_space<vmem_shared>>
        tpu.wait_indirect_dma semaphore(%run_scoped3A_129 : memref<!tpu.dma_semaphore, #tpu.memory_space<semaphore_mem>>) src(%dma_wait3A_139 : memref<128x32xf32, #tpu.memory_space<vmem>>) dst(%dma_wait3A_145 : memref<10112x32xf32, #tpu.memory_space<vmem_shared>>)
        tpu.yield
      }) : () -> ()
      %while3A_128 = arith.constant 0 : i32
      scf.yield %while3A_128 : i32
    }
    %while3A_61 = arith.constant 1 : i32
    %while3A_62 = scf.for %while3A_116 = %while3A_58 to %while3A_54 step %while3A_61 iter_args(%while3A_117 = %while3A_60) -> (i32)  : i32 {
      %mul3A_118 = arith.constant 16 : i32
      %mul3A_119 = arith.muli %while3A_116, %mul3A_118 : i32
      %add3A_120 = arith.addi %arg1, %mul3A_119 : i32
      %mul3A_121 = arith.constant 4 : i32
      %mul3A_122 = arith.muli %add3A_120, %mul3A_121 : i32
      "tpu.region"() ({
        %run_scoped3A_129 = tpu.sem_alloc : memref<!tpu.dma_semaphore, #tpu.memory_space<semaphore_mem>>
        %dma_start3A = arith.constant 0 : i32
        %dma_start3A_130 = tpu.memref_slice %arg3[%mul3A_122, %dma_start3A] : memref<2500x128xi32, #tpu.memory_space<hbm>> -> memref<4x128xi32, #tpu.memory_space<hbm>>
        %dma_start3A_131 = arith.constant 0 : i32
        %dma_start3A_132 = tpu.memref_slice %arg3[%mul3A_122, %dma_start3A_131] : memref<2500x128xi32, #tpu.memory_space<hbm>> -> memref<4x128xi32, #tpu.memory_space<hbm>>
        tpu.enqueue_dma source(%dma_start3A_132 : memref<4x128xi32, #tpu.memory_space<hbm>>) target(%arg5 : memref<4x128xi32, #tpu.memory_space<vmem>>) target_semaphore(%run_scoped3A_129 : memref<!tpu.dma_semaphore, #tpu.memory_space<semaphore_mem>>)
        %dma_wait3A = arith.constant 0 : i32
        %dma_wait3A_133 = tpu.memref_slice %arg3[%mul3A_122, %dma_wait3A] : memref<2500x128xi32, #tpu.memory_space<hbm>> -> memref<4x128xi32, #tpu.memory_space<hbm>>
        %dma_wait3A_134 = arith.constant 0 : i32
        %dma_wait3A_135 = tpu.memref_slice %arg3[%mul3A_122, %dma_wait3A_134] : memref<2500x128xi32, #tpu.memory_space<hbm>> -> memref<4x128xi32, #tpu.memory_space<hbm>>
        tpu.wait_dma2 semaphore(%run_scoped3A_129 : memref<!tpu.dma_semaphore, #tpu.memory_space<semaphore_mem>>) src(%dma_wait3A_135 : memref<4x128xi32, #tpu.memory_space<hbm>>) dst(%arg5 : memref<4x128xi32, #tpu.memory_space<vmem>>)
        tpu.yield
      }) : () -> ()
      %mul3A_123 = arith.constant 512 : i32
      %mul3A_124 = arith.muli %add3A_120, %mul3A_123 : i32
      "tpu.region"() ({
        %run_scoped3A_129 = tpu.sem_alloc : memref<!tpu.dma_semaphore, #tpu.memory_space<semaphore_mem>>
        %dma_start3A = arith.constant 32 : i32
        %dma_start3A_130 = tpu.memref_slice %arg2[%mul3A_124, %dma_start3A] : memref<320000x128xf32, #tpu.memory_space<hbm>> -> memref<512x32xf32, #tpu.memory_space<hbm>>
        %dma_start3A_131 = arith.constant 32 : i32
        %dma_start3A_132 = tpu.memref_slice %arg2[%mul3A_124, %dma_start3A_131] : memref<320000x128xf32, #tpu.memory_space<hbm>> -> memref<512x32xf32, #tpu.memory_space<hbm>>
        tpu.enqueue_dma source(%dma_start3A_132 : memref<512x32xf32, #tpu.memory_space<hbm>>) target(%arg6 : memref<512x32xf32, #tpu.memory_space<vmem>>) target_semaphore(%run_scoped3A_129 : memref<!tpu.dma_semaphore, #tpu.memory_space<semaphore_mem>>)
        %dma_wait3A = arith.constant 32 : i32
        %dma_wait3A_133 = tpu.memref_slice %arg2[%mul3A_124, %dma_wait3A] : memref<320000x128xf32, #tpu.memory_space<hbm>> -> memref<512x32xf32, #tpu.memory_space<hbm>>
        %dma_wait3A_134 = arith.constant 32 : i32
        %dma_wait3A_135 = tpu.memref_slice %arg2[%mul3A_124, %dma_wait3A_134] : memref<320000x128xf32, #tpu.memory_space<hbm>> -> memref<512x32xf32, #tpu.memory_space<hbm>>
        tpu.wait_dma2 semaphore(%run_scoped3A_129 : memref<!tpu.dma_semaphore, #tpu.memory_space<semaphore_mem>>) src(%dma_wait3A_135 : memref<512x32xf32, #tpu.memory_space<hbm>>) dst(%arg6 : memref<512x32xf32, #tpu.memory_space<vmem>>)
        tpu.yield
      }) : () -> ()
      %run_scoped3A = arith.constant 0 : i32
      "tpu.region"() ({
        %run_scoped3A_129 = tpu.sem_alloc : memref<!tpu.dma_semaphore, #tpu.memory_space<semaphore_mem>>
        %dma_start3A = arith.constant 0 : i32
        %dma_start3A_130 = arith.constant 0 : i32
        %dma_start3A_131 = tpu.memref_slice %arg6[%dma_start3A, %dma_start3A_130] : memref<512x32xf32, #tpu.memory_space<vmem>> -> memref<128x32xf32, #tpu.memory_space<vmem>>
        %dma_start3A_132 = arith.constant 0 : i32
        %dma_start3A_133 = tpu.memref_slice %arg5[%run_scoped3A, %dma_start3A_132] : memref<4x128xi32, #tpu.memory_space<vmem>> -> memref<1x128xi32, #tpu.memory_space<vmem>>
        %dma_start3A_134 = tpu.memref_squeeze %dma_start3A_133 : memref<1x128xi32, #tpu.memory_space<vmem>> -> memref<128xi32, #tpu.memory_space<vmem>>
        %dma_start3A_135 = arith.constant 0 : i32
        %dma_start3A_136 = arith.constant 0 : i32
        %dma_start3A_137 = tpu.memref_slice %arg9[%dma_start3A_135, %dma_start3A_136] : memref<10112x32xf32, #tpu.memory_space<vmem_shared>> -> memref<10112x32xf32, #tpu.memory_space<vmem_shared>>
        tpu.enqueue_indirect_dma source(%dma_start3A_131 : memref<128x32xf32, #tpu.memory_space<vmem>>) target(%dma_start3A_137 : memref<10112x32xf32, #tpu.memory_space<vmem_shared>>) offsets(%dma_start3A_134 : memref<128xi32, #tpu.memory_space<vmem>>) semaphore(%run_scoped3A_129 : memref<!tpu.dma_semaphore, #tpu.memory_space<semaphore_mem>>) {add = true}
        %dma_wait3A = arith.constant 0 : i32
        %dma_wait3A_138 = arith.constant 0 : i32
        %dma_wait3A_139 = tpu.memref_slice %arg6[%dma_wait3A, %dma_wait3A_138] : memref<512x32xf32, #tpu.memory_space<vmem>> -> memref<128x32xf32, #tpu.memory_space<vmem>>
        %dma_wait3A_140 = arith.constant 0 : i32
        %dma_wait3A_141 = tpu.memref_slice %arg5[%run_scoped3A, %dma_wait3A_140] : memref<4x128xi32, #tpu.memory_space<vmem>> -> memref<1x128xi32, #tpu.memory_space<vmem>>
        %dma_wait3A_142 = tpu.memref_squeeze %dma_wait3A_141 : memref<1x128xi32, #tpu.memory_space<vmem>> -> memref<128xi32, #tpu.memory_space<vmem>>
        %dma_wait3A_143 = arith.constant 0 : i32
        %dma_wait3A_144 = arith.constant 0 : i32
        %dma_wait3A_145 = tpu.memref_slice %arg9[%dma_wait3A_143, %dma_wait3A_144] : memref<10112x32xf32, #tpu.memory_space<vmem_shared>> -> memref<10112x32xf32, #tpu.memory_space<vmem_shared>>
        tpu.wait_indirect_dma semaphore(%run_scoped3A_129 : memref<!tpu.dma_semaphore, #tpu.memory_space<semaphore_mem>>) src(%dma_wait3A_139 : memref<128x32xf32, #tpu.memory_space<vmem>>) dst(%dma_wait3A_145 : memref<10112x32xf32, #tpu.memory_space<vmem_shared>>)
        tpu.yield
      }) : () -> ()
      %run_scoped3A_125 = arith.constant 1 : i32
      "tpu.region"() ({
        %run_scoped3A_129 = tpu.sem_alloc : memref<!tpu.dma_semaphore, #tpu.memory_space<semaphore_mem>>
        %dma_start3A = arith.constant 128 : i32
        %dma_start3A_130 = arith.constant 0 : i32
        %dma_start3A_131 = tpu.memref_slice %arg6[%dma_start3A, %dma_start3A_130] : memref<512x32xf32, #tpu.memory_space<vmem>> -> memref<128x32xf32, #tpu.memory_space<vmem>>
        %dma_start3A_132 = arith.constant 0 : i32
        %dma_start3A_133 = tpu.memref_slice %arg5[%run_scoped3A_125, %dma_start3A_132] : memref<4x128xi32, #tpu.memory_space<vmem>> -> memref<1x128xi32, #tpu.memory_space<vmem>>
        %dma_start3A_134 = tpu.memref_squeeze %dma_start3A_133 : memref<1x128xi32, #tpu.memory_space<vmem>> -> memref<128xi32, #tpu.memory_space<vmem>>
        %dma_start3A_135 = arith.constant 0 : i32
        %dma_start3A_136 = arith.constant 0 : i32
        %dma_start3A_137 = tpu.memref_slice %arg9[%dma_start3A_135, %dma_start3A_136] : memref<10112x32xf32, #tpu.memory_space<vmem_shared>> -> memref<10112x32xf32, #tpu.memory_space<vmem_shared>>
        tpu.enqueue_indirect_dma source(%dma_start3A_131 : memref<128x32xf32, #tpu.memory_space<vmem>>) target(%dma_start3A_137 : memref<10112x32xf32, #tpu.memory_space<vmem_shared>>) offsets(%dma_start3A_134 : memref<128xi32, #tpu.memory_space<vmem>>) semaphore(%run_scoped3A_129 : memref<!tpu.dma_semaphore, #tpu.memory_space<semaphore_mem>>) {add = true}
        %dma_wait3A = arith.constant 128 : i32
        %dma_wait3A_138 = arith.constant 0 : i32
        %dma_wait3A_139 = tpu.memref_slice %arg6[%dma_wait3A, %dma_wait3A_138] : memref<512x32xf32, #tpu.memory_space<vmem>> -> memref<128x32xf32, #tpu.memory_space<vmem>>
        %dma_wait3A_140 = arith.constant 0 : i32
        %dma_wait3A_141 = tpu.memref_slice %arg5[%run_scoped3A_125, %dma_wait3A_140] : memref<4x128xi32, #tpu.memory_space<vmem>> -> memref<1x128xi32, #tpu.memory_space<vmem>>
        %dma_wait3A_142 = tpu.memref_squeeze %dma_wait3A_141 : memref<1x128xi32, #tpu.memory_space<vmem>> -> memref<128xi32, #tpu.memory_space<vmem>>
        %dma_wait3A_143 = arith.constant 0 : i32
        %dma_wait3A_144 = arith.constant 0 : i32
        %dma_wait3A_145 = tpu.memref_slice %arg9[%dma_wait3A_143, %dma_wait3A_144] : memref<10112x32xf32, #tpu.memory_space<vmem_shared>> -> memref<10112x32xf32, #tpu.memory_space<vmem_shared>>
        tpu.wait_indirect_dma semaphore(%run_scoped3A_129 : memref<!tpu.dma_semaphore, #tpu.memory_space<semaphore_mem>>) src(%dma_wait3A_139 : memref<128x32xf32, #tpu.memory_space<vmem>>) dst(%dma_wait3A_145 : memref<10112x32xf32, #tpu.memory_space<vmem_shared>>)
        tpu.yield
      }) : () -> ()
      %run_scoped3A_126 = arith.constant 2 : i32
      "tpu.region"() ({
        %run_scoped3A_129 = tpu.sem_alloc : memref<!tpu.dma_semaphore, #tpu.memory_space<semaphore_mem>>
        %dma_start3A = arith.constant 256 : i32
        %dma_start3A_130 = arith.constant 0 : i32
        %dma_start3A_131 = tpu.memref_slice %arg6[%dma_start3A, %dma_start3A_130] : memref<512x32xf32, #tpu.memory_space<vmem>> -> memref<128x32xf32, #tpu.memory_space<vmem>>
        %dma_start3A_132 = arith.constant 0 : i32
        %dma_start3A_133 = tpu.memref_slice %arg5[%run_scoped3A_126, %dma_start3A_132] : memref<4x128xi32, #tpu.memory_space<vmem>> -> memref<1x128xi32, #tpu.memory_space<vmem>>
        %dma_start3A_134 = tpu.memref_squeeze %dma_start3A_133 : memref<1x128xi32, #tpu.memory_space<vmem>> -> memref<128xi32, #tpu.memory_space<vmem>>
        %dma_start3A_135 = arith.constant 0 : i32
        %dma_start3A_136 = arith.constant 0 : i32
        %dma_start3A_137 = tpu.memref_slice %arg9[%dma_start3A_135, %dma_start3A_136] : memref<10112x32xf32, #tpu.memory_space<vmem_shared>> -> memref<10112x32xf32, #tpu.memory_space<vmem_shared>>
        tpu.enqueue_indirect_dma source(%dma_start3A_131 : memref<128x32xf32, #tpu.memory_space<vmem>>) target(%dma_start3A_137 : memref<10112x32xf32, #tpu.memory_space<vmem_shared>>) offsets(%dma_start3A_134 : memref<128xi32, #tpu.memory_space<vmem>>) semaphore(%run_scoped3A_129 : memref<!tpu.dma_semaphore, #tpu.memory_space<semaphore_mem>>) {add = true}
        %dma_wait3A = arith.constant 256 : i32
        %dma_wait3A_138 = arith.constant 0 : i32
        %dma_wait3A_139 = tpu.memref_slice %arg6[%dma_wait3A, %dma_wait3A_138] : memref<512x32xf32, #tpu.memory_space<vmem>> -> memref<128x32xf32, #tpu.memory_space<vmem>>
        %dma_wait3A_140 = arith.constant 0 : i32
        %dma_wait3A_141 = tpu.memref_slice %arg5[%run_scoped3A_126, %dma_wait3A_140] : memref<4x128xi32, #tpu.memory_space<vmem>> -> memref<1x128xi32, #tpu.memory_space<vmem>>
        %dma_wait3A_142 = tpu.memref_squeeze %dma_wait3A_141 : memref<1x128xi32, #tpu.memory_space<vmem>> -> memref<128xi32, #tpu.memory_space<vmem>>
        %dma_wait3A_143 = arith.constant 0 : i32
        %dma_wait3A_144 = arith.constant 0 : i32
        %dma_wait3A_145 = tpu.memref_slice %arg9[%dma_wait3A_143, %dma_wait3A_144] : memref<10112x32xf32, #tpu.memory_space<vmem_shared>> -> memref<10112x32xf32, #tpu.memory_space<vmem_shared>>
        tpu.wait_indirect_dma semaphore(%run_scoped3A_129 : memref<!tpu.dma_semaphore, #tpu.memory_space<semaphore_mem>>) src(%dma_wait3A_139 : memref<128x32xf32, #tpu.memory_space<vmem>>) dst(%dma_wait3A_145 : memref<10112x32xf32, #tpu.memory_space<vmem_shared>>)
        tpu.yield
      }) : () -> ()
      %run_scoped3A_127 = arith.constant 3 : i32
      "tpu.region"() ({
        %run_scoped3A_129 = tpu.sem_alloc : memref<!tpu.dma_semaphore, #tpu.memory_space<semaphore_mem>>
        %dma_start3A = arith.constant 384 : i32
        %dma_start3A_130 = arith.constant 0 : i32
        %dma_start3A_131 = tpu.memref_slice %arg6[%dma_start3A, %dma_start3A_130] : memref<512x32xf32, #tpu.memory_space<vmem>> -> memref<128x32xf32, #tpu.memory_space<vmem>>
        %dma_start3A_132 = arith.constant 0 : i32
        %dma_start3A_133 = tpu.memref_slice %arg5[%run_scoped3A_127, %dma_start3A_132] : memref<4x128xi32, #tpu.memory_space<vmem>> -> memref<1x128xi32, #tpu.memory_space<vmem>>
        %dma_start3A_134 = tpu.memref_squeeze %dma_start3A_133 : memref<1x128xi32, #tpu.memory_space<vmem>> -> memref<128xi32, #tpu.memory_space<vmem>>
        %dma_start3A_135 = arith.constant 0 : i32
        %dma_start3A_136 = arith.constant 0 : i32
        %dma_start3A_137 = tpu.memref_slice %arg9[%dma_start3A_135, %dma_start3A_136] : memref<10112x32xf32, #tpu.memory_space<vmem_shared>> -> memref<10112x32xf32, #tpu.memory_space<vmem_shared>>
        tpu.enqueue_indirect_dma source(%dma_start3A_131 : memref<128x32xf32, #tpu.memory_space<vmem>>) target(%dma_start3A_137 : memref<10112x32xf32, #tpu.memory_space<vmem_shared>>) offsets(%dma_start3A_134 : memref<128xi32, #tpu.memory_space<vmem>>) semaphore(%run_scoped3A_129 : memref<!tpu.dma_semaphore, #tpu.memory_space<semaphore_mem>>) {add = true}
        %dma_wait3A = arith.constant 384 : i32
        %dma_wait3A_138 = arith.constant 0 : i32
        %dma_wait3A_139 = tpu.memref_slice %arg6[%dma_wait3A, %dma_wait3A_138] : memref<512x32xf32, #tpu.memory_space<vmem>> -> memref<128x32xf32, #tpu.memory_space<vmem>>
        %dma_wait3A_140 = arith.constant 0 : i32
        %dma_wait3A_141 = tpu.memref_slice %arg5[%run_scoped3A_127, %dma_wait3A_140] : memref<4x128xi32, #tpu.memory_space<vmem>> -> memref<1x128xi32, #tpu.memory_space<vmem>>
        %dma_wait3A_142 = tpu.memref_squeeze %dma_wait3A_141 : memref<1x128xi32, #tpu.memory_space<vmem>> -> memref<128xi32, #tpu.memory_space<vmem>>
        %dma_wait3A_143 = arith.constant 0 : i32
        %dma_wait3A_144 = arith.constant 0 : i32
        %dma_wait3A_145 = tpu.memref_slice %arg9[%dma_wait3A_143, %dma_wait3A_144] : memref<10112x32xf32, #tpu.memory_space<vmem_shared>> -> memref<10112x32xf32, #tpu.memory_space<vmem_shared>>
        tpu.wait_indirect_dma semaphore(%run_scoped3A_129 : memref<!tpu.dma_semaphore, #tpu.memory_space<semaphore_mem>>) src(%dma_wait3A_139 : memref<128x32xf32, #tpu.memory_space<vmem>>) dst(%dma_wait3A_145 : memref<10112x32xf32, #tpu.memory_space<vmem_shared>>)
        tpu.yield
      }) : () -> ()
      %while3A_128 = arith.constant 0 : i32
      scf.yield %while3A_128 : i32
    }
    %barrier3A_63 = arith.constant 0 : index
    tpu.barrier barrier_id(%barrier3A_63)
    %eq3A_64 = arith.constant 0 : i32
    %eq3A_65 = arith.cmpi eq, %arg0, %eq3A_64 : i32
    %convert_element_type3A_66 = arith.extui %eq3A_65 : i1 to i32
    %cond3A_67 = arith.constant 0 : i32
    %cond3A_68 = arith.cmpi ne, %convert_element_type3A_66, %cond3A_67 : i32
    scf.if %cond3A_68 {
      %mul3A_116 = arith.constant 632 : i32
      %mul3A_117 = arith.muli %arg1, %mul3A_116 : i32
      "tpu.region"() ({
        %run_scoped3A_122 = tpu.sem_alloc : memref<!tpu.dma_semaphore, #tpu.memory_space<semaphore_mem>>
        %dma_start3A = arith.constant 0 : i32
        %dma_start3A_123 = tpu.memref_slice %arg9[%mul3A_117, %dma_start3A] : memref<10112x32xf32, #tpu.memory_space<vmem_shared>> -> memref<632x32xf32, #tpu.memory_space<vmem_shared>>
        %dma_start3A_124 = arith.constant 0 : i32
        %dma_start3A_125 = tpu.memref_slice %arg9[%mul3A_117, %dma_start3A_124] : memref<10112x32xf32, #tpu.memory_space<vmem_shared>> -> memref<632x32xf32, #tpu.memory_space<vmem_shared>>
        tpu.enqueue_dma source(%dma_start3A_125 : memref<632x32xf32, #tpu.memory_space<vmem_shared>>) target(%arg8 : memref<632x32xf32, #tpu.memory_space<vmem>>) target_semaphore(%run_scoped3A_122 : memref<!tpu.dma_semaphore, #tpu.memory_space<semaphore_mem>>)
        %dma_wait3A = arith.constant 0 : i32
        %dma_wait3A_126 = tpu.memref_slice %arg9[%mul3A_117, %dma_wait3A] : memref<10112x32xf32, #tpu.memory_space<vmem_shared>> -> memref<632x32xf32, #tpu.memory_space<vmem_shared>>
        %dma_wait3A_127 = arith.constant 0 : i32
        %dma_wait3A_128 = tpu.memref_slice %arg9[%mul3A_117, %dma_wait3A_127] : memref<10112x32xf32, #tpu.memory_space<vmem_shared>> -> memref<632x32xf32, #tpu.memory_space<vmem_shared>>
        tpu.wait_dma2 semaphore(%run_scoped3A_122 : memref<!tpu.dma_semaphore, #tpu.memory_space<semaphore_mem>>) src(%dma_wait3A_128 : memref<632x32xf32, #tpu.memory_space<vmem_shared>>) dst(%arg8 : memref<632x32xf32, #tpu.memory_space<vmem>>)
        tpu.yield
      }) : () -> ()
      %mul3A_118 = arith.constant 632 : i32
      %mul3A_119 = arith.muli %arg1, %mul3A_118 : i32
      %run_scoped3A = arith.constant 1 : i32
      "tpu.region"() ({
        %run_scoped3A_122 = tpu.sem_alloc : memref<!tpu.dma_semaphore, #tpu.memory_space<semaphore_mem>>
        %dma_start3A = arith.constant 0 : i32
        %dma_start3A_123 = tpu.memref_slice %arg4[%run_scoped3A, %mul3A_119, %dma_start3A] : memref<4x10112x32xf32, #tpu.memory_space<hbm>> -> memref<1x632x32xf32, #tpu.memory_space<hbm>>
        %dma_start3A_124 = tpu.memref_squeeze %dma_start3A_123 : memref<1x632x32xf32, #tpu.memory_space<hbm>> -> memref<632x32xf32, #tpu.memory_space<hbm>>
        %dma_start3A_125 = arith.constant 0 : i32
        %dma_start3A_126 = tpu.memref_slice %arg4[%run_scoped3A, %mul3A_119, %dma_start3A_125] : memref<4x10112x32xf32, #tpu.memory_space<hbm>> -> memref<1x632x32xf32, #tpu.memory_space<hbm>>
        %dma_start3A_127 = tpu.memref_squeeze %dma_start3A_126 : memref<1x632x32xf32, #tpu.memory_space<hbm>> -> memref<632x32xf32, #tpu.memory_space<hbm>>
        tpu.enqueue_dma source(%arg8 : memref<632x32xf32, #tpu.memory_space<vmem>>) target(%dma_start3A_127 : memref<632x32xf32, #tpu.memory_space<hbm>>) target_semaphore(%run_scoped3A_122 : memref<!tpu.dma_semaphore, #tpu.memory_space<semaphore_mem>>)
        %dma_wait3A = arith.constant 0 : i32
        %dma_wait3A_128 = tpu.memref_slice %arg4[%run_scoped3A, %mul3A_119, %dma_wait3A] : memref<4x10112x32xf32, #tpu.memory_space<hbm>> -> memref<1x632x32xf32, #tpu.memory_space<hbm>>
        %dma_wait3A_129 = tpu.memref_squeeze %dma_wait3A_128 : memref<1x632x32xf32, #tpu.memory_space<hbm>> -> memref<632x32xf32, #tpu.memory_space<hbm>>
        %dma_wait3A_130 = arith.constant 0 : i32
        %dma_wait3A_131 = tpu.memref_slice %arg4[%run_scoped3A, %mul3A_119, %dma_wait3A_130] : memref<4x10112x32xf32, #tpu.memory_space<hbm>> -> memref<1x632x32xf32, #tpu.memory_space<hbm>>
        %dma_wait3A_132 = tpu.memref_squeeze %dma_wait3A_131 : memref<1x632x32xf32, #tpu.memory_space<hbm>> -> memref<632x32xf32, #tpu.memory_space<hbm>>
        tpu.wait_dma2 semaphore(%run_scoped3A_122 : memref<!tpu.dma_semaphore, #tpu.memory_space<semaphore_mem>>) src(%arg8 : memref<632x32xf32, #tpu.memory_space<vmem>>) dst(%dma_wait3A_132 : memref<632x32xf32, #tpu.memory_space<hbm>>)
        tpu.yield
      }) : () -> ()
      %mul3A_120 = arith.constant 632 : i32
      %mul3A_121 = arith.muli %arg1, %mul3A_120 : i32
      "tpu.region"() ({
        %run_scoped3A_122 = tpu.sem_alloc : memref<!tpu.dma_semaphore, #tpu.memory_space<semaphore_mem>>
        %dma_start3A = arith.constant 0 : i32
        %dma_start3A_123 = tpu.memref_slice %arg9[%mul3A_121, %dma_start3A] : memref<10112x32xf32, #tpu.memory_space<vmem_shared>> -> memref<632x32xf32, #tpu.memory_space<vmem_shared>>
        %dma_start3A_124 = arith.constant 0 : i32
        %dma_start3A_125 = tpu.memref_slice %arg9[%mul3A_121, %dma_start3A_124] : memref<10112x32xf32, #tpu.memory_space<vmem_shared>> -> memref<632x32xf32, #tpu.memory_space<vmem_shared>>
        tpu.enqueue_dma source(%arg7 : memref<632x32xf32, #tpu.memory_space<vmem>>) target(%dma_start3A_125 : memref<632x32xf32, #tpu.memory_space<vmem_shared>>) target_semaphore(%run_scoped3A_122 : memref<!tpu.dma_semaphore, #tpu.memory_space<semaphore_mem>>)
        %dma_wait3A = arith.constant 0 : i32
        %dma_wait3A_126 = tpu.memref_slice %arg9[%mul3A_121, %dma_wait3A] : memref<10112x32xf32, #tpu.memory_space<vmem_shared>> -> memref<632x32xf32, #tpu.memory_space<vmem_shared>>
        %dma_wait3A_127 = arith.constant 0 : i32
        %dma_wait3A_128 = tpu.memref_slice %arg9[%mul3A_121, %dma_wait3A_127] : memref<10112x32xf32, #tpu.memory_space<vmem_shared>> -> memref<632x32xf32, #tpu.memory_space<vmem_shared>>
        tpu.wait_dma2 semaphore(%run_scoped3A_122 : memref<!tpu.dma_semaphore, #tpu.memory_space<semaphore_mem>>) src(%arg7 : memref<632x32xf32, #tpu.memory_space<vmem>>) dst(%dma_wait3A_128 : memref<632x32xf32, #tpu.memory_space<vmem_shared>>)
        tpu.yield
      }) : () -> ()
    } else {
    }
    %barrier3A_69 = arith.constant 0 : index
    tpu.barrier barrier_id(%barrier3A_69)
    %eq3A_70 = arith.constant 1 : i32
    %eq3A_71 = arith.cmpi eq, %arg0, %eq3A_70 : i32
    %jit3A_72 = arith.constant 0 : i32
    %select_n3A_73 = arith.select %eq3A_71, %select_n3A, %jit3A_72 : i32
    %while3A_74 = arith.constant 0 : i32
    %while3A_75 = arith.constant 0 : i32
    %while3A_76 = arith.subi %select_n3A_73, %while3A_74 : i32
    %while3A_77 = arith.addi %while3A_74, %while3A_76 : i32
    %while3A_78 = arith.constant 1 : i32
    %while3A_79 = arith.divsi %while3A_76, %while3A_78 : i32
    %while3A_80 = arith.muli %while3A_79, %while3A_78 : i32
    %while3A_81 = arith.addi %while3A_74, %while3A_80 : i32
    %while3A_82 = arith.constant 1 : i32
    %while3A_83 = scf.for %while3A_116 = %while3A_74 to %while3A_81 step %while3A_82 iter_args(%while3A_117 = %while3A_75) -> (i32)  : i32 {
      %mul3A_118 = arith.constant 16 : i32
      %mul3A_119 = arith.muli %while3A_116, %mul3A_118 : i32
      %add3A_120 = arith.addi %arg1, %mul3A_119 : i32
      %mul3A_121 = arith.constant 4 : i32
      %mul3A_122 = arith.muli %add3A_120, %mul3A_121 : i32
      "tpu.region"() ({
        %run_scoped3A_129 = tpu.sem_alloc : memref<!tpu.dma_semaphore, #tpu.memory_space<semaphore_mem>>
        %dma_start3A = arith.constant 0 : i32
        %dma_start3A_130 = tpu.memref_slice %arg3[%mul3A_122, %dma_start3A] : memref<2500x128xi32, #tpu.memory_space<hbm>> -> memref<4x128xi32, #tpu.memory_space<hbm>>
        %dma_start3A_131 = arith.constant 0 : i32
        %dma_start3A_132 = tpu.memref_slice %arg3[%mul3A_122, %dma_start3A_131] : memref<2500x128xi32, #tpu.memory_space<hbm>> -> memref<4x128xi32, #tpu.memory_space<hbm>>
        tpu.enqueue_dma source(%dma_start3A_132 : memref<4x128xi32, #tpu.memory_space<hbm>>) target(%arg5 : memref<4x128xi32, #tpu.memory_space<vmem>>) target_semaphore(%run_scoped3A_129 : memref<!tpu.dma_semaphore, #tpu.memory_space<semaphore_mem>>)
        %dma_wait3A = arith.constant 0 : i32
        %dma_wait3A_133 = tpu.memref_slice %arg3[%mul3A_122, %dma_wait3A] : memref<2500x128xi32, #tpu.memory_space<hbm>> -> memref<4x128xi32, #tpu.memory_space<hbm>>
        %dma_wait3A_134 = arith.constant 0 : i32
        %dma_wait3A_135 = tpu.memref_slice %arg3[%mul3A_122, %dma_wait3A_134] : memref<2500x128xi32, #tpu.memory_space<hbm>> -> memref<4x128xi32, #tpu.memory_space<hbm>>
        tpu.wait_dma2 semaphore(%run_scoped3A_129 : memref<!tpu.dma_semaphore, #tpu.memory_space<semaphore_mem>>) src(%dma_wait3A_135 : memref<4x128xi32, #tpu.memory_space<hbm>>) dst(%arg5 : memref<4x128xi32, #tpu.memory_space<vmem>>)
        tpu.yield
      }) : () -> ()
      %mul3A_123 = arith.constant 512 : i32
      %mul3A_124 = arith.muli %add3A_120, %mul3A_123 : i32
      "tpu.region"() ({
        %run_scoped3A_129 = tpu.sem_alloc : memref<!tpu.dma_semaphore, #tpu.memory_space<semaphore_mem>>
        %dma_start3A = arith.constant 64 : i32
        %dma_start3A_130 = tpu.memref_slice %arg2[%mul3A_124, %dma_start3A] : memref<320000x128xf32, #tpu.memory_space<hbm>> -> memref<512x32xf32, #tpu.memory_space<hbm>>
        %dma_start3A_131 = arith.constant 64 : i32
        %dma_start3A_132 = tpu.memref_slice %arg2[%mul3A_124, %dma_start3A_131] : memref<320000x128xf32, #tpu.memory_space<hbm>> -> memref<512x32xf32, #tpu.memory_space<hbm>>
        tpu.enqueue_dma source(%dma_start3A_132 : memref<512x32xf32, #tpu.memory_space<hbm>>) target(%arg6 : memref<512x32xf32, #tpu.memory_space<vmem>>) target_semaphore(%run_scoped3A_129 : memref<!tpu.dma_semaphore, #tpu.memory_space<semaphore_mem>>)
        %dma_wait3A = arith.constant 64 : i32
        %dma_wait3A_133 = tpu.memref_slice %arg2[%mul3A_124, %dma_wait3A] : memref<320000x128xf32, #tpu.memory_space<hbm>> -> memref<512x32xf32, #tpu.memory_space<hbm>>
        %dma_wait3A_134 = arith.constant 64 : i32
        %dma_wait3A_135 = tpu.memref_slice %arg2[%mul3A_124, %dma_wait3A_134] : memref<320000x128xf32, #tpu.memory_space<hbm>> -> memref<512x32xf32, #tpu.memory_space<hbm>>
        tpu.wait_dma2 semaphore(%run_scoped3A_129 : memref<!tpu.dma_semaphore, #tpu.memory_space<semaphore_mem>>) src(%dma_wait3A_135 : memref<512x32xf32, #tpu.memory_space<hbm>>) dst(%arg6 : memref<512x32xf32, #tpu.memory_space<vmem>>)
        tpu.yield
      }) : () -> ()
      %run_scoped3A = arith.constant 0 : i32
      "tpu.region"() ({
        %run_scoped3A_129 = tpu.sem_alloc : memref<!tpu.dma_semaphore, #tpu.memory_space<semaphore_mem>>
        %dma_start3A = arith.constant 0 : i32
        %dma_start3A_130 = arith.constant 0 : i32
        %dma_start3A_131 = tpu.memref_slice %arg6[%dma_start3A, %dma_start3A_130] : memref<512x32xf32, #tpu.memory_space<vmem>> -> memref<128x32xf32, #tpu.memory_space<vmem>>
        %dma_start3A_132 = arith.constant 0 : i32
        %dma_start3A_133 = tpu.memref_slice %arg5[%run_scoped3A, %dma_start3A_132] : memref<4x128xi32, #tpu.memory_space<vmem>> -> memref<1x128xi32, #tpu.memory_space<vmem>>
        %dma_start3A_134 = tpu.memref_squeeze %dma_start3A_133 : memref<1x128xi32, #tpu.memory_space<vmem>> -> memref<128xi32, #tpu.memory_space<vmem>>
        %dma_start3A_135 = arith.constant 0 : i32
        %dma_start3A_136 = arith.constant 0 : i32
        %dma_start3A_137 = tpu.memref_slice %arg9[%dma_start3A_135, %dma_start3A_136] : memref<10112x32xf32, #tpu.memory_space<vmem_shared>> -> memref<10112x32xf32, #tpu.memory_space<vmem_shared>>
        tpu.enqueue_indirect_dma source(%dma_start3A_131 : memref<128x32xf32, #tpu.memory_space<vmem>>) target(%dma_start3A_137 : memref<10112x32xf32, #tpu.memory_space<vmem_shared>>) offsets(%dma_start3A_134 : memref<128xi32, #tpu.memory_space<vmem>>) semaphore(%run_scoped3A_129 : memref<!tpu.dma_semaphore, #tpu.memory_space<semaphore_mem>>) {add = true}
        %dma_wait3A = arith.constant 0 : i32
        %dma_wait3A_138 = arith.constant 0 : i32
        %dma_wait3A_139 = tpu.memref_slice %arg6[%dma_wait3A, %dma_wait3A_138] : memref<512x32xf32, #tpu.memory_space<vmem>> -> memref<128x32xf32, #tpu.memory_space<vmem>>
        %dma_wait3A_140 = arith.constant 0 : i32
        %dma_wait3A_141 = tpu.memref_slice %arg5[%run_scoped3A, %dma_wait3A_140] : memref<4x128xi32, #tpu.memory_space<vmem>> -> memref<1x128xi32, #tpu.memory_space<vmem>>
        %dma_wait3A_142 = tpu.memref_squeeze %dma_wait3A_141 : memref<1x128xi32, #tpu.memory_space<vmem>> -> memref<128xi32, #tpu.memory_space<vmem>>
        %dma_wait3A_143 = arith.constant 0 : i32
        %dma_wait3A_144 = arith.constant 0 : i32
        %dma_wait3A_145 = tpu.memref_slice %arg9[%dma_wait3A_143, %dma_wait3A_144] : memref<10112x32xf32, #tpu.memory_space<vmem_shared>> -> memref<10112x32xf32, #tpu.memory_space<vmem_shared>>
        tpu.wait_indirect_dma semaphore(%run_scoped3A_129 : memref<!tpu.dma_semaphore, #tpu.memory_space<semaphore_mem>>) src(%dma_wait3A_139 : memref<128x32xf32, #tpu.memory_space<vmem>>) dst(%dma_wait3A_145 : memref<10112x32xf32, #tpu.memory_space<vmem_shared>>)
        tpu.yield
      }) : () -> ()
      %run_scoped3A_125 = arith.constant 1 : i32
      "tpu.region"() ({
        %run_scoped3A_129 = tpu.sem_alloc : memref<!tpu.dma_semaphore, #tpu.memory_space<semaphore_mem>>
        %dma_start3A = arith.constant 128 : i32
        %dma_start3A_130 = arith.constant 0 : i32
        %dma_start3A_131 = tpu.memref_slice %arg6[%dma_start3A, %dma_start3A_130] : memref<512x32xf32, #tpu.memory_space<vmem>> -> memref<128x32xf32, #tpu.memory_space<vmem>>
        %dma_start3A_132 = arith.constant 0 : i32
        %dma_start3A_133 = tpu.memref_slice %arg5[%run_scoped3A_125, %dma_start3A_132] : memref<4x128xi32, #tpu.memory_space<vmem>> -> memref<1x128xi32, #tpu.memory_space<vmem>>
        %dma_start3A_134 = tpu.memref_squeeze %dma_start3A_133 : memref<1x128xi32, #tpu.memory_space<vmem>> -> memref<128xi32, #tpu.memory_space<vmem>>
        %dma_start3A_135 = arith.constant 0 : i32
        %dma_start3A_136 = arith.constant 0 : i32
        %dma_start3A_137 = tpu.memref_slice %arg9[%dma_start3A_135, %dma_start3A_136] : memref<10112x32xf32, #tpu.memory_space<vmem_shared>> -> memref<10112x32xf32, #tpu.memory_space<vmem_shared>>
        tpu.enqueue_indirect_dma source(%dma_start3A_131 : memref<128x32xf32, #tpu.memory_space<vmem>>) target(%dma_start3A_137 : memref<10112x32xf32, #tpu.memory_space<vmem_shared>>) offsets(%dma_start3A_134 : memref<128xi32, #tpu.memory_space<vmem>>) semaphore(%run_scoped3A_129 : memref<!tpu.dma_semaphore, #tpu.memory_space<semaphore_mem>>) {add = true}
        %dma_wait3A = arith.constant 128 : i32
        %dma_wait3A_138 = arith.constant 0 : i32
        %dma_wait3A_139 = tpu.memref_slice %arg6[%dma_wait3A, %dma_wait3A_138] : memref<512x32xf32, #tpu.memory_space<vmem>> -> memref<128x32xf32, #tpu.memory_space<vmem>>
        %dma_wait3A_140 = arith.constant 0 : i32
        %dma_wait3A_141 = tpu.memref_slice %arg5[%run_scoped3A_125, %dma_wait3A_140] : memref<4x128xi32, #tpu.memory_space<vmem>> -> memref<1x128xi32, #tpu.memory_space<vmem>>
        %dma_wait3A_142 = tpu.memref_squeeze %dma_wait3A_141 : memref<1x128xi32, #tpu.memory_space<vmem>> -> memref<128xi32, #tpu.memory_space<vmem>>
        %dma_wait3A_143 = arith.constant 0 : i32
        %dma_wait3A_144 = arith.constant 0 : i32
        %dma_wait3A_145 = tpu.memref_slice %arg9[%dma_wait3A_143, %dma_wait3A_144] : memref<10112x32xf32, #tpu.memory_space<vmem_shared>> -> memref<10112x32xf32, #tpu.memory_space<vmem_shared>>
        tpu.wait_indirect_dma semaphore(%run_scoped3A_129 : memref<!tpu.dma_semaphore, #tpu.memory_space<semaphore_mem>>) src(%dma_wait3A_139 : memref<128x32xf32, #tpu.memory_space<vmem>>) dst(%dma_wait3A_145 : memref<10112x32xf32, #tpu.memory_space<vmem_shared>>)
        tpu.yield
      }) : () -> ()
      %run_scoped3A_126 = arith.constant 2 : i32
      "tpu.region"() ({
        %run_scoped3A_129 = tpu.sem_alloc : memref<!tpu.dma_semaphore, #tpu.memory_space<semaphore_mem>>
        %dma_start3A = arith.constant 256 : i32
        %dma_start3A_130 = arith.constant 0 : i32
        %dma_start3A_131 = tpu.memref_slice %arg6[%dma_start3A, %dma_start3A_130] : memref<512x32xf32, #tpu.memory_space<vmem>> -> memref<128x32xf32, #tpu.memory_space<vmem>>
        %dma_start3A_132 = arith.constant 0 : i32
        %dma_start3A_133 = tpu.memref_slice %arg5[%run_scoped3A_126, %dma_start3A_132] : memref<4x128xi32, #tpu.memory_space<vmem>> -> memref<1x128xi32, #tpu.memory_space<vmem>>
        %dma_start3A_134 = tpu.memref_squeeze %dma_start3A_133 : memref<1x128xi32, #tpu.memory_space<vmem>> -> memref<128xi32, #tpu.memory_space<vmem>>
        %dma_start3A_135 = arith.constant 0 : i32
        %dma_start3A_136 = arith.constant 0 : i32
        %dma_start3A_137 = tpu.memref_slice %arg9[%dma_start3A_135, %dma_start3A_136] : memref<10112x32xf32, #tpu.memory_space<vmem_shared>> -> memref<10112x32xf32, #tpu.memory_space<vmem_shared>>
        tpu.enqueue_indirect_dma source(%dma_start3A_131 : memref<128x32xf32, #tpu.memory_space<vmem>>) target(%dma_start3A_137 : memref<10112x32xf32, #tpu.memory_space<vmem_shared>>) offsets(%dma_start3A_134 : memref<128xi32, #tpu.memory_space<vmem>>) semaphore(%run_scoped3A_129 : memref<!tpu.dma_semaphore, #tpu.memory_space<semaphore_mem>>) {add = true}
        %dma_wait3A = arith.constant 256 : i32
        %dma_wait3A_138 = arith.constant 0 : i32
        %dma_wait3A_139 = tpu.memref_slice %arg6[%dma_wait3A, %dma_wait3A_138] : memref<512x32xf32, #tpu.memory_space<vmem>> -> memref<128x32xf32, #tpu.memory_space<vmem>>
        %dma_wait3A_140 = arith.constant 0 : i32
        %dma_wait3A_141 = tpu.memref_slice %arg5[%run_scoped3A_126, %dma_wait3A_140] : memref<4x128xi32, #tpu.memory_space<vmem>> -> memref<1x128xi32, #tpu.memory_space<vmem>>
        %dma_wait3A_142 = tpu.memref_squeeze %dma_wait3A_141 : memref<1x128xi32, #tpu.memory_space<vmem>> -> memref<128xi32, #tpu.memory_space<vmem>>
        %dma_wait3A_143 = arith.constant 0 : i32
        %dma_wait3A_144 = arith.constant 0 : i32
        %dma_wait3A_145 = tpu.memref_slice %arg9[%dma_wait3A_143, %dma_wait3A_144] : memref<10112x32xf32, #tpu.memory_space<vmem_shared>> -> memref<10112x32xf32, #tpu.memory_space<vmem_shared>>
        tpu.wait_indirect_dma semaphore(%run_scoped3A_129 : memref<!tpu.dma_semaphore, #tpu.memory_space<semaphore_mem>>) src(%dma_wait3A_139 : memref<128x32xf32, #tpu.memory_space<vmem>>) dst(%dma_wait3A_145 : memref<10112x32xf32, #tpu.memory_space<vmem_shared>>)
        tpu.yield
      }) : () -> ()
      %run_scoped3A_127 = arith.constant 3 : i32
      "tpu.region"() ({
        %run_scoped3A_129 = tpu.sem_alloc : memref<!tpu.dma_semaphore, #tpu.memory_space<semaphore_mem>>
        %dma_start3A = arith.constant 384 : i32
        %dma_start3A_130 = arith.constant 0 : i32
        %dma_start3A_131 = tpu.memref_slice %arg6[%dma_start3A, %dma_start3A_130] : memref<512x32xf32, #tpu.memory_space<vmem>> -> memref<128x32xf32, #tpu.memory_space<vmem>>
        %dma_start3A_132 = arith.constant 0 : i32
        %dma_start3A_133 = tpu.memref_slice %arg5[%run_scoped3A_127, %dma_start3A_132] : memref<4x128xi32, #tpu.memory_space<vmem>> -> memref<1x128xi32, #tpu.memory_space<vmem>>
        %dma_start3A_134 = tpu.memref_squeeze %dma_start3A_133 : memref<1x128xi32, #tpu.memory_space<vmem>> -> memref<128xi32, #tpu.memory_space<vmem>>
        %dma_start3A_135 = arith.constant 0 : i32
        %dma_start3A_136 = arith.constant 0 : i32
        %dma_start3A_137 = tpu.memref_slice %arg9[%dma_start3A_135, %dma_start3A_136] : memref<10112x32xf32, #tpu.memory_space<vmem_shared>> -> memref<10112x32xf32, #tpu.memory_space<vmem_shared>>
        tpu.enqueue_indirect_dma source(%dma_start3A_131 : memref<128x32xf32, #tpu.memory_space<vmem>>) target(%dma_start3A_137 : memref<10112x32xf32, #tpu.memory_space<vmem_shared>>) offsets(%dma_start3A_134 : memref<128xi32, #tpu.memory_space<vmem>>) semaphore(%run_scoped3A_129 : memref<!tpu.dma_semaphore, #tpu.memory_space<semaphore_mem>>) {add = true}
        %dma_wait3A = arith.constant 384 : i32
        %dma_wait3A_138 = arith.constant 0 : i32
        %dma_wait3A_139 = tpu.memref_slice %arg6[%dma_wait3A, %dma_wait3A_138] : memref<512x32xf32, #tpu.memory_space<vmem>> -> memref<128x32xf32, #tpu.memory_space<vmem>>
        %dma_wait3A_140 = arith.constant 0 : i32
        %dma_wait3A_141 = tpu.memref_slice %arg5[%run_scoped3A_127, %dma_wait3A_140] : memref<4x128xi32, #tpu.memory_space<vmem>> -> memref<1x128xi32, #tpu.memory_space<vmem>>
        %dma_wait3A_142 = tpu.memref_squeeze %dma_wait3A_141 : memref<1x128xi32, #tpu.memory_space<vmem>> -> memref<128xi32, #tpu.memory_space<vmem>>
        %dma_wait3A_143 = arith.constant 0 : i32
        %dma_wait3A_144 = arith.constant 0 : i32
        %dma_wait3A_145 = tpu.memref_slice %arg9[%dma_wait3A_143, %dma_wait3A_144] : memref<10112x32xf32, #tpu.memory_space<vmem_shared>> -> memref<10112x32xf32, #tpu.memory_space<vmem_shared>>
        tpu.wait_indirect_dma semaphore(%run_scoped3A_129 : memref<!tpu.dma_semaphore, #tpu.memory_space<semaphore_mem>>) src(%dma_wait3A_139 : memref<128x32xf32, #tpu.memory_space<vmem>>) dst(%dma_wait3A_145 : memref<10112x32xf32, #tpu.memory_space<vmem_shared>>)
        tpu.yield
      }) : () -> ()
      %while3A_128 = arith.constant 0 : i32
      scf.yield %while3A_128 : i32
    }
    %while3A_84 = arith.constant 1 : i32
    %while3A_85 = scf.for %while3A_116 = %while3A_81 to %while3A_77 step %while3A_84 iter_args(%while3A_117 = %while3A_83) -> (i32)  : i32 {
      %mul3A_118 = arith.constant 16 : i32
      %mul3A_119 = arith.muli %while3A_116, %mul3A_118 : i32
      %add3A_120 = arith.addi %arg1, %mul3A_119 : i32
      %mul3A_121 = arith.constant 4 : i32
      %mul3A_122 = arith.muli %add3A_120, %mul3A_121 : i32
      "tpu.region"() ({
        %run_scoped3A_129 = tpu.sem_alloc : memref<!tpu.dma_semaphore, #tpu.memory_space<semaphore_mem>>
        %dma_start3A = arith.constant 0 : i32
        %dma_start3A_130 = tpu.memref_slice %arg3[%mul3A_122, %dma_start3A] : memref<2500x128xi32, #tpu.memory_space<hbm>> -> memref<4x128xi32, #tpu.memory_space<hbm>>
        %dma_start3A_131 = arith.constant 0 : i32
        %dma_start3A_132 = tpu.memref_slice %arg3[%mul3A_122, %dma_start3A_131] : memref<2500x128xi32, #tpu.memory_space<hbm>> -> memref<4x128xi32, #tpu.memory_space<hbm>>
        tpu.enqueue_dma source(%dma_start3A_132 : memref<4x128xi32, #tpu.memory_space<hbm>>) target(%arg5 : memref<4x128xi32, #tpu.memory_space<vmem>>) target_semaphore(%run_scoped3A_129 : memref<!tpu.dma_semaphore, #tpu.memory_space<semaphore_mem>>)
        %dma_wait3A = arith.constant 0 : i32
        %dma_wait3A_133 = tpu.memref_slice %arg3[%mul3A_122, %dma_wait3A] : memref<2500x128xi32, #tpu.memory_space<hbm>> -> memref<4x128xi32, #tpu.memory_space<hbm>>
        %dma_wait3A_134 = arith.constant 0 : i32
        %dma_wait3A_135 = tpu.memref_slice %arg3[%mul3A_122, %dma_wait3A_134] : memref<2500x128xi32, #tpu.memory_space<hbm>> -> memref<4x128xi32, #tpu.memory_space<hbm>>
        tpu.wait_dma2 semaphore(%run_scoped3A_129 : memref<!tpu.dma_semaphore, #tpu.memory_space<semaphore_mem>>) src(%dma_wait3A_135 : memref<4x128xi32, #tpu.memory_space<hbm>>) dst(%arg5 : memref<4x128xi32, #tpu.memory_space<vmem>>)
        tpu.yield
      }) : () -> ()
      %mul3A_123 = arith.constant 512 : i32
      %mul3A_124 = arith.muli %add3A_120, %mul3A_123 : i32
      "tpu.region"() ({
        %run_scoped3A_129 = tpu.sem_alloc : memref<!tpu.dma_semaphore, #tpu.memory_space<semaphore_mem>>
        %dma_start3A = arith.constant 64 : i32
        %dma_start3A_130 = tpu.memref_slice %arg2[%mul3A_124, %dma_start3A] : memref<320000x128xf32, #tpu.memory_space<hbm>> -> memref<512x32xf32, #tpu.memory_space<hbm>>
        %dma_start3A_131 = arith.constant 64 : i32
        %dma_start3A_132 = tpu.memref_slice %arg2[%mul3A_124, %dma_start3A_131] : memref<320000x128xf32, #tpu.memory_space<hbm>> -> memref<512x32xf32, #tpu.memory_space<hbm>>
        tpu.enqueue_dma source(%dma_start3A_132 : memref<512x32xf32, #tpu.memory_space<hbm>>) target(%arg6 : memref<512x32xf32, #tpu.memory_space<vmem>>) target_semaphore(%run_scoped3A_129 : memref<!tpu.dma_semaphore, #tpu.memory_space<semaphore_mem>>)
        %dma_wait3A = arith.constant 64 : i32
        %dma_wait3A_133 = tpu.memref_slice %arg2[%mul3A_124, %dma_wait3A] : memref<320000x128xf32, #tpu.memory_space<hbm>> -> memref<512x32xf32, #tpu.memory_space<hbm>>
        %dma_wait3A_134 = arith.constant 64 : i32
        %dma_wait3A_135 = tpu.memref_slice %arg2[%mul3A_124, %dma_wait3A_134] : memref<320000x128xf32, #tpu.memory_space<hbm>> -> memref<512x32xf32, #tpu.memory_space<hbm>>
        tpu.wait_dma2 semaphore(%run_scoped3A_129 : memref<!tpu.dma_semaphore, #tpu.memory_space<semaphore_mem>>) src(%dma_wait3A_135 : memref<512x32xf32, #tpu.memory_space<hbm>>) dst(%arg6 : memref<512x32xf32, #tpu.memory_space<vmem>>)
        tpu.yield
      }) : () -> ()
      %run_scoped3A = arith.constant 0 : i32
      "tpu.region"() ({
        %run_scoped3A_129 = tpu.sem_alloc : memref<!tpu.dma_semaphore, #tpu.memory_space<semaphore_mem>>
        %dma_start3A = arith.constant 0 : i32
        %dma_start3A_130 = arith.constant 0 : i32
        %dma_start3A_131 = tpu.memref_slice %arg6[%dma_start3A, %dma_start3A_130] : memref<512x32xf32, #tpu.memory_space<vmem>> -> memref<128x32xf32, #tpu.memory_space<vmem>>
        %dma_start3A_132 = arith.constant 0 : i32
        %dma_start3A_133 = tpu.memref_slice %arg5[%run_scoped3A, %dma_start3A_132] : memref<4x128xi32, #tpu.memory_space<vmem>> -> memref<1x128xi32, #tpu.memory_space<vmem>>
        %dma_start3A_134 = tpu.memref_squeeze %dma_start3A_133 : memref<1x128xi32, #tpu.memory_space<vmem>> -> memref<128xi32, #tpu.memory_space<vmem>>
        %dma_start3A_135 = arith.constant 0 : i32
        %dma_start3A_136 = arith.constant 0 : i32
        %dma_start3A_137 = tpu.memref_slice %arg9[%dma_start3A_135, %dma_start3A_136] : memref<10112x32xf32, #tpu.memory_space<vmem_shared>> -> memref<10112x32xf32, #tpu.memory_space<vmem_shared>>
        tpu.enqueue_indirect_dma source(%dma_start3A_131 : memref<128x32xf32, #tpu.memory_space<vmem>>) target(%dma_start3A_137 : memref<10112x32xf32, #tpu.memory_space<vmem_shared>>) offsets(%dma_start3A_134 : memref<128xi32, #tpu.memory_space<vmem>>) semaphore(%run_scoped3A_129 : memref<!tpu.dma_semaphore, #tpu.memory_space<semaphore_mem>>) {add = true}
        %dma_wait3A = arith.constant 0 : i32
        %dma_wait3A_138 = arith.constant 0 : i32
        %dma_wait3A_139 = tpu.memref_slice %arg6[%dma_wait3A, %dma_wait3A_138] : memref<512x32xf32, #tpu.memory_space<vmem>> -> memref<128x32xf32, #tpu.memory_space<vmem>>
        %dma_wait3A_140 = arith.constant 0 : i32
        %dma_wait3A_141 = tpu.memref_slice %arg5[%run_scoped3A, %dma_wait3A_140] : memref<4x128xi32, #tpu.memory_space<vmem>> -> memref<1x128xi32, #tpu.memory_space<vmem>>
        %dma_wait3A_142 = tpu.memref_squeeze %dma_wait3A_141 : memref<1x128xi32, #tpu.memory_space<vmem>> -> memref<128xi32, #tpu.memory_space<vmem>>
        %dma_wait3A_143 = arith.constant 0 : i32
        %dma_wait3A_144 = arith.constant 0 : i32
        %dma_wait3A_145 = tpu.memref_slice %arg9[%dma_wait3A_143, %dma_wait3A_144] : memref<10112x32xf32, #tpu.memory_space<vmem_shared>> -> memref<10112x32xf32, #tpu.memory_space<vmem_shared>>
        tpu.wait_indirect_dma semaphore(%run_scoped3A_129 : memref<!tpu.dma_semaphore, #tpu.memory_space<semaphore_mem>>) src(%dma_wait3A_139 : memref<128x32xf32, #tpu.memory_space<vmem>>) dst(%dma_wait3A_145 : memref<10112x32xf32, #tpu.memory_space<vmem_shared>>)
        tpu.yield
      }) : () -> ()
      %run_scoped3A_125 = arith.constant 1 : i32
      "tpu.region"() ({
        %run_scoped3A_129 = tpu.sem_alloc : memref<!tpu.dma_semaphore, #tpu.memory_space<semaphore_mem>>
        %dma_start3A = arith.constant 128 : i32
        %dma_start3A_130 = arith.constant 0 : i32
        %dma_start3A_131 = tpu.memref_slice %arg6[%dma_start3A, %dma_start3A_130] : memref<512x32xf32, #tpu.memory_space<vmem>> -> memref<128x32xf32, #tpu.memory_space<vmem>>
        %dma_start3A_132 = arith.constant 0 : i32
        %dma_start3A_133 = tpu.memref_slice %arg5[%run_scoped3A_125, %dma_start3A_132] : memref<4x128xi32, #tpu.memory_space<vmem>> -> memref<1x128xi32, #tpu.memory_space<vmem>>
        %dma_start3A_134 = tpu.memref_squeeze %dma_start3A_133 : memref<1x128xi32, #tpu.memory_space<vmem>> -> memref<128xi32, #tpu.memory_space<vmem>>
        %dma_start3A_135 = arith.constant 0 : i32
        %dma_start3A_136 = arith.constant 0 : i32
        %dma_start3A_137 = tpu.memref_slice %arg9[%dma_start3A_135, %dma_start3A_136] : memref<10112x32xf32, #tpu.memory_space<vmem_shared>> -> memref<10112x32xf32, #tpu.memory_space<vmem_shared>>
        tpu.enqueue_indirect_dma source(%dma_start3A_131 : memref<128x32xf32, #tpu.memory_space<vmem>>) target(%dma_start3A_137 : memref<10112x32xf32, #tpu.memory_space<vmem_shared>>) offsets(%dma_start3A_134 : memref<128xi32, #tpu.memory_space<vmem>>) semaphore(%run_scoped3A_129 : memref<!tpu.dma_semaphore, #tpu.memory_space<semaphore_mem>>) {add = true}
        %dma_wait3A = arith.constant 128 : i32
        %dma_wait3A_138 = arith.constant 0 : i32
        %dma_wait3A_139 = tpu.memref_slice %arg6[%dma_wait3A, %dma_wait3A_138] : memref<512x32xf32, #tpu.memory_space<vmem>> -> memref<128x32xf32, #tpu.memory_space<vmem>>
        %dma_wait3A_140 = arith.constant 0 : i32
        %dma_wait3A_141 = tpu.memref_slice %arg5[%run_scoped3A_125, %dma_wait3A_140] : memref<4x128xi32, #tpu.memory_space<vmem>> -> memref<1x128xi32, #tpu.memory_space<vmem>>
        %dma_wait3A_142 = tpu.memref_squeeze %dma_wait3A_141 : memref<1x128xi32, #tpu.memory_space<vmem>> -> memref<128xi32, #tpu.memory_space<vmem>>
        %dma_wait3A_143 = arith.constant 0 : i32
        %dma_wait3A_144 = arith.constant 0 : i32
        %dma_wait3A_145 = tpu.memref_slice %arg9[%dma_wait3A_143, %dma_wait3A_144] : memref<10112x32xf32, #tpu.memory_space<vmem_shared>> -> memref<10112x32xf32, #tpu.memory_space<vmem_shared>>
        tpu.wait_indirect_dma semaphore(%run_scoped3A_129 : memref<!tpu.dma_semaphore, #tpu.memory_space<semaphore_mem>>) src(%dma_wait3A_139 : memref<128x32xf32, #tpu.memory_space<vmem>>) dst(%dma_wait3A_145 : memref<10112x32xf32, #tpu.memory_space<vmem_shared>>)
        tpu.yield
      }) : () -> ()
      %run_scoped3A_126 = arith.constant 2 : i32
      "tpu.region"() ({
        %run_scoped3A_129 = tpu.sem_alloc : memref<!tpu.dma_semaphore, #tpu.memory_space<semaphore_mem>>
        %dma_start3A = arith.constant 256 : i32
        %dma_start3A_130 = arith.constant 0 : i32
        %dma_start3A_131 = tpu.memref_slice %arg6[%dma_start3A, %dma_start3A_130] : memref<512x32xf32, #tpu.memory_space<vmem>> -> memref<128x32xf32, #tpu.memory_space<vmem>>
        %dma_start3A_132 = arith.constant 0 : i32
        %dma_start3A_133 = tpu.memref_slice %arg5[%run_scoped3A_126, %dma_start3A_132] : memref<4x128xi32, #tpu.memory_space<vmem>> -> memref<1x128xi32, #tpu.memory_space<vmem>>
        %dma_start3A_134 = tpu.memref_squeeze %dma_start3A_133 : memref<1x128xi32, #tpu.memory_space<vmem>> -> memref<128xi32, #tpu.memory_space<vmem>>
        %dma_start3A_135 = arith.constant 0 : i32
        %dma_start3A_136 = arith.constant 0 : i32
        %dma_start3A_137 = tpu.memref_slice %arg9[%dma_start3A_135, %dma_start3A_136] : memref<10112x32xf32, #tpu.memory_space<vmem_shared>> -> memref<10112x32xf32, #tpu.memory_space<vmem_shared>>
        tpu.enqueue_indirect_dma source(%dma_start3A_131 : memref<128x32xf32, #tpu.memory_space<vmem>>) target(%dma_start3A_137 : memref<10112x32xf32, #tpu.memory_space<vmem_shared>>) offsets(%dma_start3A_134 : memref<128xi32, #tpu.memory_space<vmem>>) semaphore(%run_scoped3A_129 : memref<!tpu.dma_semaphore, #tpu.memory_space<semaphore_mem>>) {add = true}
        %dma_wait3A = arith.constant 256 : i32
        %dma_wait3A_138 = arith.constant 0 : i32
        %dma_wait3A_139 = tpu.memref_slice %arg6[%dma_wait3A, %dma_wait3A_138] : memref<512x32xf32, #tpu.memory_space<vmem>> -> memref<128x32xf32, #tpu.memory_space<vmem>>
        %dma_wait3A_140 = arith.constant 0 : i32
        %dma_wait3A_141 = tpu.memref_slice %arg5[%run_scoped3A_126, %dma_wait3A_140] : memref<4x128xi32, #tpu.memory_space<vmem>> -> memref<1x128xi32, #tpu.memory_space<vmem>>
        %dma_wait3A_142 = tpu.memref_squeeze %dma_wait3A_141 : memref<1x128xi32, #tpu.memory_space<vmem>> -> memref<128xi32, #tpu.memory_space<vmem>>
        %dma_wait3A_143 = arith.constant 0 : i32
        %dma_wait3A_144 = arith.constant 0 : i32
        %dma_wait3A_145 = tpu.memref_slice %arg9[%dma_wait3A_143, %dma_wait3A_144] : memref<10112x32xf32, #tpu.memory_space<vmem_shared>> -> memref<10112x32xf32, #tpu.memory_space<vmem_shared>>
        tpu.wait_indirect_dma semaphore(%run_scoped3A_129 : memref<!tpu.dma_semaphore, #tpu.memory_space<semaphore_mem>>) src(%dma_wait3A_139 : memref<128x32xf32, #tpu.memory_space<vmem>>) dst(%dma_wait3A_145 : memref<10112x32xf32, #tpu.memory_space<vmem_shared>>)
        tpu.yield
      }) : () -> ()
      %run_scoped3A_127 = arith.constant 3 : i32
      "tpu.region"() ({
        %run_scoped3A_129 = tpu.sem_alloc : memref<!tpu.dma_semaphore, #tpu.memory_space<semaphore_mem>>
        %dma_start3A = arith.constant 384 : i32
        %dma_start3A_130 = arith.constant 0 : i32
        %dma_start3A_131 = tpu.memref_slice %arg6[%dma_start3A, %dma_start3A_130] : memref<512x32xf32, #tpu.memory_space<vmem>> -> memref<128x32xf32, #tpu.memory_space<vmem>>
        %dma_start3A_132 = arith.constant 0 : i32
        %dma_start3A_133 = tpu.memref_slice %arg5[%run_scoped3A_127, %dma_start3A_132] : memref<4x128xi32, #tpu.memory_space<vmem>> -> memref<1x128xi32, #tpu.memory_space<vmem>>
        %dma_start3A_134 = tpu.memref_squeeze %dma_start3A_133 : memref<1x128xi32, #tpu.memory_space<vmem>> -> memref<128xi32, #tpu.memory_space<vmem>>
        %dma_start3A_135 = arith.constant 0 : i32
        %dma_start3A_136 = arith.constant 0 : i32
        %dma_start3A_137 = tpu.memref_slice %arg9[%dma_start3A_135, %dma_start3A_136] : memref<10112x32xf32, #tpu.memory_space<vmem_shared>> -> memref<10112x32xf32, #tpu.memory_space<vmem_shared>>
        tpu.enqueue_indirect_dma source(%dma_start3A_131 : memref<128x32xf32, #tpu.memory_space<vmem>>) target(%dma_start3A_137 : memref<10112x32xf32, #tpu.memory_space<vmem_shared>>) offsets(%dma_start3A_134 : memref<128xi32, #tpu.memory_space<vmem>>) semaphore(%run_scoped3A_129 : memref<!tpu.dma_semaphore, #tpu.memory_space<semaphore_mem>>) {add = true}
        %dma_wait3A = arith.constant 384 : i32
        %dma_wait3A_138 = arith.constant 0 : i32
        %dma_wait3A_139 = tpu.memref_slice %arg6[%dma_wait3A, %dma_wait3A_138] : memref<512x32xf32, #tpu.memory_space<vmem>> -> memref<128x32xf32, #tpu.memory_space<vmem>>
        %dma_wait3A_140 = arith.constant 0 : i32
        %dma_wait3A_141 = tpu.memref_slice %arg5[%run_scoped3A_127, %dma_wait3A_140] : memref<4x128xi32, #tpu.memory_space<vmem>> -> memref<1x128xi32, #tpu.memory_space<vmem>>
        %dma_wait3A_142 = tpu.memref_squeeze %dma_wait3A_141 : memref<1x128xi32, #tpu.memory_space<vmem>> -> memref<128xi32, #tpu.memory_space<vmem>>
        %dma_wait3A_143 = arith.constant 0 : i32
        %dma_wait3A_144 = arith.constant 0 : i32
        %dma_wait3A_145 = tpu.memref_slice %arg9[%dma_wait3A_143, %dma_wait3A_144] : memref<10112x32xf32, #tpu.memory_space<vmem_shared>> -> memref<10112x32xf32, #tpu.memory_space<vmem_shared>>
        tpu.wait_indirect_dma semaphore(%run_scoped3A_129 : memref<!tpu.dma_semaphore, #tpu.memory_space<semaphore_mem>>) src(%dma_wait3A_139 : memref<128x32xf32, #tpu.memory_space<vmem>>) dst(%dma_wait3A_145 : memref<10112x32xf32, #tpu.memory_space<vmem_shared>>)
        tpu.yield
      }) : () -> ()
      %while3A_128 = arith.constant 0 : i32
      scf.yield %while3A_128 : i32
    }
    %barrier3A_86 = arith.constant 0 : index
    tpu.barrier barrier_id(%barrier3A_86)
    %eq3A_87 = arith.constant 1 : i32
    %eq3A_88 = arith.cmpi eq, %arg0, %eq3A_87 : i32
    %convert_element_type3A_89 = arith.extui %eq3A_88 : i1 to i32
    %cond3A_90 = arith.constant 0 : i32
    %cond3A_91 = arith.cmpi ne, %convert_element_type3A_89, %cond3A_90 : i32
    scf.if %cond3A_91 {
      %mul3A_116 = arith.constant 632 : i32
      %mul3A_117 = arith.muli %arg1, %mul3A_116 : i32
      "tpu.region"() ({
        %run_scoped3A_122 = tpu.sem_alloc : memref<!tpu.dma_semaphore, #tpu.memory_space<semaphore_mem>>
        %dma_start3A = arith.constant 0 : i32
        %dma_start3A_123 = tpu.memref_slice %arg9[%mul3A_117, %dma_start3A] : memref<10112x32xf32, #tpu.memory_space<vmem_shared>> -> memref<632x32xf32, #tpu.memory_space<vmem_shared>>
        %dma_start3A_124 = arith.constant 0 : i32
        %dma_start3A_125 = tpu.memref_slice %arg9[%mul3A_117, %dma_start3A_124] : memref<10112x32xf32, #tpu.memory_space<vmem_shared>> -> memref<632x32xf32, #tpu.memory_space<vmem_shared>>
        tpu.enqueue_dma source(%dma_start3A_125 : memref<632x32xf32, #tpu.memory_space<vmem_shared>>) target(%arg8 : memref<632x32xf32, #tpu.memory_space<vmem>>) target_semaphore(%run_scoped3A_122 : memref<!tpu.dma_semaphore, #tpu.memory_space<semaphore_mem>>)
        %dma_wait3A = arith.constant 0 : i32
        %dma_wait3A_126 = tpu.memref_slice %arg9[%mul3A_117, %dma_wait3A] : memref<10112x32xf32, #tpu.memory_space<vmem_shared>> -> memref<632x32xf32, #tpu.memory_space<vmem_shared>>
        %dma_wait3A_127 = arith.constant 0 : i32
        %dma_wait3A_128 = tpu.memref_slice %arg9[%mul3A_117, %dma_wait3A_127] : memref<10112x32xf32, #tpu.memory_space<vmem_shared>> -> memref<632x32xf32, #tpu.memory_space<vmem_shared>>
        tpu.wait_dma2 semaphore(%run_scoped3A_122 : memref<!tpu.dma_semaphore, #tpu.memory_space<semaphore_mem>>) src(%dma_wait3A_128 : memref<632x32xf32, #tpu.memory_space<vmem_shared>>) dst(%arg8 : memref<632x32xf32, #tpu.memory_space<vmem>>)
        tpu.yield
      }) : () -> ()
      %mul3A_118 = arith.constant 632 : i32
      %mul3A_119 = arith.muli %arg1, %mul3A_118 : i32
      %run_scoped3A = arith.constant 2 : i32
      "tpu.region"() ({
        %run_scoped3A_122 = tpu.sem_alloc : memref<!tpu.dma_semaphore, #tpu.memory_space<semaphore_mem>>
        %dma_start3A = arith.constant 0 : i32
        %dma_start3A_123 = tpu.memref_slice %arg4[%run_scoped3A, %mul3A_119, %dma_start3A] : memref<4x10112x32xf32, #tpu.memory_space<hbm>> -> memref<1x632x32xf32, #tpu.memory_space<hbm>>
        %dma_start3A_124 = tpu.memref_squeeze %dma_start3A_123 : memref<1x632x32xf32, #tpu.memory_space<hbm>> -> memref<632x32xf32, #tpu.memory_space<hbm>>
        %dma_start3A_125 = arith.constant 0 : i32
        %dma_start3A_126 = tpu.memref_slice %arg4[%run_scoped3A, %mul3A_119, %dma_start3A_125] : memref<4x10112x32xf32, #tpu.memory_space<hbm>> -> memref<1x632x32xf32, #tpu.memory_space<hbm>>
        %dma_start3A_127 = tpu.memref_squeeze %dma_start3A_126 : memref<1x632x32xf32, #tpu.memory_space<hbm>> -> memref<632x32xf32, #tpu.memory_space<hbm>>
        tpu.enqueue_dma source(%arg8 : memref<632x32xf32, #tpu.memory_space<vmem>>) target(%dma_start3A_127 : memref<632x32xf32, #tpu.memory_space<hbm>>) target_semaphore(%run_scoped3A_122 : memref<!tpu.dma_semaphore, #tpu.memory_space<semaphore_mem>>)
        %dma_wait3A = arith.constant 0 : i32
        %dma_wait3A_128 = tpu.memref_slice %arg4[%run_scoped3A, %mul3A_119, %dma_wait3A] : memref<4x10112x32xf32, #tpu.memory_space<hbm>> -> memref<1x632x32xf32, #tpu.memory_space<hbm>>
        %dma_wait3A_129 = tpu.memref_squeeze %dma_wait3A_128 : memref<1x632x32xf32, #tpu.memory_space<hbm>> -> memref<632x32xf32, #tpu.memory_space<hbm>>
        %dma_wait3A_130 = arith.constant 0 : i32
        %dma_wait3A_131 = tpu.memref_slice %arg4[%run_scoped3A, %mul3A_119, %dma_wait3A_130] : memref<4x10112x32xf32, #tpu.memory_space<hbm>> -> memref<1x632x32xf32, #tpu.memory_space<hbm>>
        %dma_wait3A_132 = tpu.memref_squeeze %dma_wait3A_131 : memref<1x632x32xf32, #tpu.memory_space<hbm>> -> memref<632x32xf32, #tpu.memory_space<hbm>>
        tpu.wait_dma2 semaphore(%run_scoped3A_122 : memref<!tpu.dma_semaphore, #tpu.memory_space<semaphore_mem>>) src(%arg8 : memref<632x32xf32, #tpu.memory_space<vmem>>) dst(%dma_wait3A_132 : memref<632x32xf32, #tpu.memory_space<hbm>>)
        tpu.yield
      }) : () -> ()
      %mul3A_120 = arith.constant 632 : i32
      %mul3A_121 = arith.muli %arg1, %mul3A_120 : i32
      "tpu.region"() ({
        %run_scoped3A_122 = tpu.sem_alloc : memref<!tpu.dma_semaphore, #tpu.memory_space<semaphore_mem>>
        %dma_start3A = arith.constant 0 : i32
        %dma_start3A_123 = tpu.memref_slice %arg9[%mul3A_121, %dma_start3A] : memref<10112x32xf32, #tpu.memory_space<vmem_shared>> -> memref<632x32xf32, #tpu.memory_space<vmem_shared>>
        %dma_start3A_124 = arith.constant 0 : i32
        %dma_start3A_125 = tpu.memref_slice %arg9[%mul3A_121, %dma_start3A_124] : memref<10112x32xf32, #tpu.memory_space<vmem_shared>> -> memref<632x32xf32, #tpu.memory_space<vmem_shared>>
        tpu.enqueue_dma source(%arg7 : memref<632x32xf32, #tpu.memory_space<vmem>>) target(%dma_start3A_125 : memref<632x32xf32, #tpu.memory_space<vmem_shared>>) target_semaphore(%run_scoped3A_122 : memref<!tpu.dma_semaphore, #tpu.memory_space<semaphore_mem>>)
        %dma_wait3A = arith.constant 0 : i32
        %dma_wait3A_126 = tpu.memref_slice %arg9[%mul3A_121, %dma_wait3A] : memref<10112x32xf32, #tpu.memory_space<vmem_shared>> -> memref<632x32xf32, #tpu.memory_space<vmem_shared>>
        %dma_wait3A_127 = arith.constant 0 : i32
        %dma_wait3A_128 = tpu.memref_slice %arg9[%mul3A_121, %dma_wait3A_127] : memref<10112x32xf32, #tpu.memory_space<vmem_shared>> -> memref<632x32xf32, #tpu.memory_space<vmem_shared>>
        tpu.wait_dma2 semaphore(%run_scoped3A_122 : memref<!tpu.dma_semaphore, #tpu.memory_space<semaphore_mem>>) src(%arg7 : memref<632x32xf32, #tpu.memory_space<vmem>>) dst(%dma_wait3A_128 : memref<632x32xf32, #tpu.memory_space<vmem_shared>>)
        tpu.yield
      }) : () -> ()
    } else {
    }
    %barrier3A_92 = arith.constant 0 : index
    tpu.barrier barrier_id(%barrier3A_92)
    %eq3A_93 = arith.constant 1 : i32
    %eq3A_94 = arith.cmpi eq, %arg0, %eq3A_93 : i32
    %jit3A_95 = arith.constant 0 : i32
    %select_n3A_96 = arith.select %eq3A_94, %select_n3A, %jit3A_95 : i32
    %while3A_97 = arith.constant 0 : i32
    %while3A_98 = arith.constant 0 : i32
    %while3A_99 = arith.subi %select_n3A_96, %while3A_97 : i32
    %while3A_100 = arith.addi %while3A_97, %while3A_99 : i32
    %while3A_101 = arith.constant 1 : i32
    %while3A_102 = arith.divsi %while3A_99, %while3A_101 : i32
    %while3A_103 = arith.muli %while3A_102, %while3A_101 : i32
    %while3A_104 = arith.addi %while3A_97, %while3A_103 : i32
    %while3A_105 = arith.constant 1 : i32
    %while3A_106 = scf.for %while3A_116 = %while3A_97 to %while3A_104 step %while3A_105 iter_args(%while3A_117 = %while3A_98) -> (i32)  : i32 {
      %mul3A_118 = arith.constant 16 : i32
      %mul3A_119 = arith.muli %while3A_116, %mul3A_118 : i32
      %add3A_120 = arith.addi %arg1, %mul3A_119 : i32
      %mul3A_121 = arith.constant 4 : i32
      %mul3A_122 = arith.muli %add3A_120, %mul3A_121 : i32
      "tpu.region"() ({
        %run_scoped3A_129 = tpu.sem_alloc : memref<!tpu.dma_semaphore, #tpu.memory_space<semaphore_mem>>
        %dma_start3A = arith.constant 0 : i32
        %dma_start3A_130 = tpu.memref_slice %arg3[%mul3A_122, %dma_start3A] : memref<2500x128xi32, #tpu.memory_space<hbm>> -> memref<4x128xi32, #tpu.memory_space<hbm>>
        %dma_start3A_131 = arith.constant 0 : i32
        %dma_start3A_132 = tpu.memref_slice %arg3[%mul3A_122, %dma_start3A_131] : memref<2500x128xi32, #tpu.memory_space<hbm>> -> memref<4x128xi32, #tpu.memory_space<hbm>>
        tpu.enqueue_dma source(%dma_start3A_132 : memref<4x128xi32, #tpu.memory_space<hbm>>) target(%arg5 : memref<4x128xi32, #tpu.memory_space<vmem>>) target_semaphore(%run_scoped3A_129 : memref<!tpu.dma_semaphore, #tpu.memory_space<semaphore_mem>>)
        %dma_wait3A = arith.constant 0 : i32
        %dma_wait3A_133 = tpu.memref_slice %arg3[%mul3A_122, %dma_wait3A] : memref<2500x128xi32, #tpu.memory_space<hbm>> -> memref<4x128xi32, #tpu.memory_space<hbm>>
        %dma_wait3A_134 = arith.constant 0 : i32
        %dma_wait3A_135 = tpu.memref_slice %arg3[%mul3A_122, %dma_wait3A_134] : memref<2500x128xi32, #tpu.memory_space<hbm>> -> memref<4x128xi32, #tpu.memory_space<hbm>>
        tpu.wait_dma2 semaphore(%run_scoped3A_129 : memref<!tpu.dma_semaphore, #tpu.memory_space<semaphore_mem>>) src(%dma_wait3A_135 : memref<4x128xi32, #tpu.memory_space<hbm>>) dst(%arg5 : memref<4x128xi32, #tpu.memory_space<vmem>>)
        tpu.yield
      }) : () -> ()
      %mul3A_123 = arith.constant 512 : i32
      %mul3A_124 = arith.muli %add3A_120, %mul3A_123 : i32
      "tpu.region"() ({
        %run_scoped3A_129 = tpu.sem_alloc : memref<!tpu.dma_semaphore, #tpu.memory_space<semaphore_mem>>
        %dma_start3A = arith.constant 96 : i32
        %dma_start3A_130 = tpu.memref_slice %arg2[%mul3A_124, %dma_start3A] : memref<320000x128xf32, #tpu.memory_space<hbm>> -> memref<512x32xf32, #tpu.memory_space<hbm>>
        %dma_start3A_131 = arith.constant 96 : i32
        %dma_start3A_132 = tpu.memref_slice %arg2[%mul3A_124, %dma_start3A_131] : memref<320000x128xf32, #tpu.memory_space<hbm>> -> memref<512x32xf32, #tpu.memory_space<hbm>>
        tpu.enqueue_dma source(%dma_start3A_132 : memref<512x32xf32, #tpu.memory_space<hbm>>) target(%arg6 : memref<512x32xf32, #tpu.memory_space<vmem>>) target_semaphore(%run_scoped3A_129 : memref<!tpu.dma_semaphore, #tpu.memory_space<semaphore_mem>>)
        %dma_wait3A = arith.constant 96 : i32
        %dma_wait3A_133 = tpu.memref_slice %arg2[%mul3A_124, %dma_wait3A] : memref<320000x128xf32, #tpu.memory_space<hbm>> -> memref<512x32xf32, #tpu.memory_space<hbm>>
        %dma_wait3A_134 = arith.constant 96 : i32
        %dma_wait3A_135 = tpu.memref_slice %arg2[%mul3A_124, %dma_wait3A_134] : memref<320000x128xf32, #tpu.memory_space<hbm>> -> memref<512x32xf32, #tpu.memory_space<hbm>>
        tpu.wait_dma2 semaphore(%run_scoped3A_129 : memref<!tpu.dma_semaphore, #tpu.memory_space<semaphore_mem>>) src(%dma_wait3A_135 : memref<512x32xf32, #tpu.memory_space<hbm>>) dst(%arg6 : memref<512x32xf32, #tpu.memory_space<vmem>>)
        tpu.yield
      }) : () -> ()
      %run_scoped3A = arith.constant 0 : i32
      "tpu.region"() ({
        %run_scoped3A_129 = tpu.sem_alloc : memref<!tpu.dma_semaphore, #tpu.memory_space<semaphore_mem>>
        %dma_start3A = arith.constant 0 : i32
        %dma_start3A_130 = arith.constant 0 : i32
        %dma_start3A_131 = tpu.memref_slice %arg6[%dma_start3A, %dma_start3A_130] : memref<512x32xf32, #tpu.memory_space<vmem>> -> memref<128x32xf32, #tpu.memory_space<vmem>>
        %dma_start3A_132 = arith.constant 0 : i32
        %dma_start3A_133 = tpu.memref_slice %arg5[%run_scoped3A, %dma_start3A_132] : memref<4x128xi32, #tpu.memory_space<vmem>> -> memref<1x128xi32, #tpu.memory_space<vmem>>
        %dma_start3A_134 = tpu.memref_squeeze %dma_start3A_133 : memref<1x128xi32, #tpu.memory_space<vmem>> -> memref<128xi32, #tpu.memory_space<vmem>>
        %dma_start3A_135 = arith.constant 0 : i32
        %dma_start3A_136 = arith.constant 0 : i32
        %dma_start3A_137 = tpu.memref_slice %arg9[%dma_start3A_135, %dma_start3A_136] : memref<10112x32xf32, #tpu.memory_space<vmem_shared>> -> memref<10112x32xf32, #tpu.memory_space<vmem_shared>>
        tpu.enqueue_indirect_dma source(%dma_start3A_131 : memref<128x32xf32, #tpu.memory_space<vmem>>) target(%dma_start3A_137 : memref<10112x32xf32, #tpu.memory_space<vmem_shared>>) offsets(%dma_start3A_134 : memref<128xi32, #tpu.memory_space<vmem>>) semaphore(%run_scoped3A_129 : memref<!tpu.dma_semaphore, #tpu.memory_space<semaphore_mem>>) {add = true}
        %dma_wait3A = arith.constant 0 : i32
        %dma_wait3A_138 = arith.constant 0 : i32
        %dma_wait3A_139 = tpu.memref_slice %arg6[%dma_wait3A, %dma_wait3A_138] : memref<512x32xf32, #tpu.memory_space<vmem>> -> memref<128x32xf32, #tpu.memory_space<vmem>>
        %dma_wait3A_140 = arith.constant 0 : i32
        %dma_wait3A_141 = tpu.memref_slice %arg5[%run_scoped3A, %dma_wait3A_140] : memref<4x128xi32, #tpu.memory_space<vmem>> -> memref<1x128xi32, #tpu.memory_space<vmem>>
        %dma_wait3A_142 = tpu.memref_squeeze %dma_wait3A_141 : memref<1x128xi32, #tpu.memory_space<vmem>> -> memref<128xi32, #tpu.memory_space<vmem>>
        %dma_wait3A_143 = arith.constant 0 : i32
        %dma_wait3A_144 = arith.constant 0 : i32
        %dma_wait3A_145 = tpu.memref_slice %arg9[%dma_wait3A_143, %dma_wait3A_144] : memref<10112x32xf32, #tpu.memory_space<vmem_shared>> -> memref<10112x32xf32, #tpu.memory_space<vmem_shared>>
        tpu.wait_indirect_dma semaphore(%run_scoped3A_129 : memref<!tpu.dma_semaphore, #tpu.memory_space<semaphore_mem>>) src(%dma_wait3A_139 : memref<128x32xf32, #tpu.memory_space<vmem>>) dst(%dma_wait3A_145 : memref<10112x32xf32, #tpu.memory_space<vmem_shared>>)
        tpu.yield
      }) : () -> ()
      %run_scoped3A_125 = arith.constant 1 : i32
      "tpu.region"() ({
        %run_scoped3A_129 = tpu.sem_alloc : memref<!tpu.dma_semaphore, #tpu.memory_space<semaphore_mem>>
        %dma_start3A = arith.constant 128 : i32
        %dma_start3A_130 = arith.constant 0 : i32
        %dma_start3A_131 = tpu.memref_slice %arg6[%dma_start3A, %dma_start3A_130] : memref<512x32xf32, #tpu.memory_space<vmem>> -> memref<128x32xf32, #tpu.memory_space<vmem>>
        %dma_start3A_132 = arith.constant 0 : i32
        %dma_start3A_133 = tpu.memref_slice %arg5[%run_scoped3A_125, %dma_start3A_132] : memref<4x128xi32, #tpu.memory_space<vmem>> -> memref<1x128xi32, #tpu.memory_space<vmem>>
        %dma_start3A_134 = tpu.memref_squeeze %dma_start3A_133 : memref<1x128xi32, #tpu.memory_space<vmem>> -> memref<128xi32, #tpu.memory_space<vmem>>
        %dma_start3A_135 = arith.constant 0 : i32
        %dma_start3A_136 = arith.constant 0 : i32
        %dma_start3A_137 = tpu.memref_slice %arg9[%dma_start3A_135, %dma_start3A_136] : memref<10112x32xf32, #tpu.memory_space<vmem_shared>> -> memref<10112x32xf32, #tpu.memory_space<vmem_shared>>
        tpu.enqueue_indirect_dma source(%dma_start3A_131 : memref<128x32xf32, #tpu.memory_space<vmem>>) target(%dma_start3A_137 : memref<10112x32xf32, #tpu.memory_space<vmem_shared>>) offsets(%dma_start3A_134 : memref<128xi32, #tpu.memory_space<vmem>>) semaphore(%run_scoped3A_129 : memref<!tpu.dma_semaphore, #tpu.memory_space<semaphore_mem>>) {add = true}
        %dma_wait3A = arith.constant 128 : i32
        %dma_wait3A_138 = arith.constant 0 : i32
        %dma_wait3A_139 = tpu.memref_slice %arg6[%dma_wait3A, %dma_wait3A_138] : memref<512x32xf32, #tpu.memory_space<vmem>> -> memref<128x32xf32, #tpu.memory_space<vmem>>
        %dma_wait3A_140 = arith.constant 0 : i32
        %dma_wait3A_141 = tpu.memref_slice %arg5[%run_scoped3A_125, %dma_wait3A_140] : memref<4x128xi32, #tpu.memory_space<vmem>> -> memref<1x128xi32, #tpu.memory_space<vmem>>
        %dma_wait3A_142 = tpu.memref_squeeze %dma_wait3A_141 : memref<1x128xi32, #tpu.memory_space<vmem>> -> memref<128xi32, #tpu.memory_space<vmem>>
        %dma_wait3A_143 = arith.constant 0 : i32
        %dma_wait3A_144 = arith.constant 0 : i32
        %dma_wait3A_145 = tpu.memref_slice %arg9[%dma_wait3A_143, %dma_wait3A_144] : memref<10112x32xf32, #tpu.memory_space<vmem_shared>> -> memref<10112x32xf32, #tpu.memory_space<vmem_shared>>
        tpu.wait_indirect_dma semaphore(%run_scoped3A_129 : memref<!tpu.dma_semaphore, #tpu.memory_space<semaphore_mem>>) src(%dma_wait3A_139 : memref<128x32xf32, #tpu.memory_space<vmem>>) dst(%dma_wait3A_145 : memref<10112x32xf32, #tpu.memory_space<vmem_shared>>)
        tpu.yield
      }) : () -> ()
      %run_scoped3A_126 = arith.constant 2 : i32
      "tpu.region"() ({
        %run_scoped3A_129 = tpu.sem_alloc : memref<!tpu.dma_semaphore, #tpu.memory_space<semaphore_mem>>
        %dma_start3A = arith.constant 256 : i32
        %dma_start3A_130 = arith.constant 0 : i32
        %dma_start3A_131 = tpu.memref_slice %arg6[%dma_start3A, %dma_start3A_130] : memref<512x32xf32, #tpu.memory_space<vmem>> -> memref<128x32xf32, #tpu.memory_space<vmem>>
        %dma_start3A_132 = arith.constant 0 : i32
        %dma_start3A_133 = tpu.memref_slice %arg5[%run_scoped3A_126, %dma_start3A_132] : memref<4x128xi32, #tpu.memory_space<vmem>> -> memref<1x128xi32, #tpu.memory_space<vmem>>
        %dma_start3A_134 = tpu.memref_squeeze %dma_start3A_133 : memref<1x128xi32, #tpu.memory_space<vmem>> -> memref<128xi32, #tpu.memory_space<vmem>>
        %dma_start3A_135 = arith.constant 0 : i32
        %dma_start3A_136 = arith.constant 0 : i32
        %dma_start3A_137 = tpu.memref_slice %arg9[%dma_start3A_135, %dma_start3A_136] : memref<10112x32xf32, #tpu.memory_space<vmem_shared>> -> memref<10112x32xf32, #tpu.memory_space<vmem_shared>>
        tpu.enqueue_indirect_dma source(%dma_start3A_131 : memref<128x32xf32, #tpu.memory_space<vmem>>) target(%dma_start3A_137 : memref<10112x32xf32, #tpu.memory_space<vmem_shared>>) offsets(%dma_start3A_134 : memref<128xi32, #tpu.memory_space<vmem>>) semaphore(%run_scoped3A_129 : memref<!tpu.dma_semaphore, #tpu.memory_space<semaphore_mem>>) {add = true}
        %dma_wait3A = arith.constant 256 : i32
        %dma_wait3A_138 = arith.constant 0 : i32
        %dma_wait3A_139 = tpu.memref_slice %arg6[%dma_wait3A, %dma_wait3A_138] : memref<512x32xf32, #tpu.memory_space<vmem>> -> memref<128x32xf32, #tpu.memory_space<vmem>>
        %dma_wait3A_140 = arith.constant 0 : i32
        %dma_wait3A_141 = tpu.memref_slice %arg5[%run_scoped3A_126, %dma_wait3A_140] : memref<4x128xi32, #tpu.memory_space<vmem>> -> memref<1x128xi32, #tpu.memory_space<vmem>>
        %dma_wait3A_142 = tpu.memref_squeeze %dma_wait3A_141 : memref<1x128xi32, #tpu.memory_space<vmem>> -> memref<128xi32, #tpu.memory_space<vmem>>
        %dma_wait3A_143 = arith.constant 0 : i32
        %dma_wait3A_144 = arith.constant 0 : i32
        %dma_wait3A_145 = tpu.memref_slice %arg9[%dma_wait3A_143, %dma_wait3A_144] : memref<10112x32xf32, #tpu.memory_space<vmem_shared>> -> memref<10112x32xf32, #tpu.memory_space<vmem_shared>>
        tpu.wait_indirect_dma semaphore(%run_scoped3A_129 : memref<!tpu.dma_semaphore, #tpu.memory_space<semaphore_mem>>) src(%dma_wait3A_139 : memref<128x32xf32, #tpu.memory_space<vmem>>) dst(%dma_wait3A_145 : memref<10112x32xf32, #tpu.memory_space<vmem_shared>>)
        tpu.yield
      }) : () -> ()
      %run_scoped3A_127 = arith.constant 3 : i32
      "tpu.region"() ({
        %run_scoped3A_129 = tpu.sem_alloc : memref<!tpu.dma_semaphore, #tpu.memory_space<semaphore_mem>>
        %dma_start3A = arith.constant 384 : i32
        %dma_start3A_130 = arith.constant 0 : i32
        %dma_start3A_131 = tpu.memref_slice %arg6[%dma_start3A, %dma_start3A_130] : memref<512x32xf32, #tpu.memory_space<vmem>> -> memref<128x32xf32, #tpu.memory_space<vmem>>
        %dma_start3A_132 = arith.constant 0 : i32
        %dma_start3A_133 = tpu.memref_slice %arg5[%run_scoped3A_127, %dma_start3A_132] : memref<4x128xi32, #tpu.memory_space<vmem>> -> memref<1x128xi32, #tpu.memory_space<vmem>>
        %dma_start3A_134 = tpu.memref_squeeze %dma_start3A_133 : memref<1x128xi32, #tpu.memory_space<vmem>> -> memref<128xi32, #tpu.memory_space<vmem>>
        %dma_start3A_135 = arith.constant 0 : i32
        %dma_start3A_136 = arith.constant 0 : i32
        %dma_start3A_137 = tpu.memref_slice %arg9[%dma_start3A_135, %dma_start3A_136] : memref<10112x32xf32, #tpu.memory_space<vmem_shared>> -> memref<10112x32xf32, #tpu.memory_space<vmem_shared>>
        tpu.enqueue_indirect_dma source(%dma_start3A_131 : memref<128x32xf32, #tpu.memory_space<vmem>>) target(%dma_start3A_137 : memref<10112x32xf32, #tpu.memory_space<vmem_shared>>) offsets(%dma_start3A_134 : memref<128xi32, #tpu.memory_space<vmem>>) semaphore(%run_scoped3A_129 : memref<!tpu.dma_semaphore, #tpu.memory_space<semaphore_mem>>) {add = true}
        %dma_wait3A = arith.constant 384 : i32
        %dma_wait3A_138 = arith.constant 0 : i32
        %dma_wait3A_139 = tpu.memref_slice %arg6[%dma_wait3A, %dma_wait3A_138] : memref<512x32xf32, #tpu.memory_space<vmem>> -> memref<128x32xf32, #tpu.memory_space<vmem>>
        %dma_wait3A_140 = arith.constant 0 : i32
        %dma_wait3A_141 = tpu.memref_slice %arg5[%run_scoped3A_127, %dma_wait3A_140] : memref<4x128xi32, #tpu.memory_space<vmem>> -> memref<1x128xi32, #tpu.memory_space<vmem>>
        %dma_wait3A_142 = tpu.memref_squeeze %dma_wait3A_141 : memref<1x128xi32, #tpu.memory_space<vmem>> -> memref<128xi32, #tpu.memory_space<vmem>>
        %dma_wait3A_143 = arith.constant 0 : i32
        %dma_wait3A_144 = arith.constant 0 : i32
        %dma_wait3A_145 = tpu.memref_slice %arg9[%dma_wait3A_143, %dma_wait3A_144] : memref<10112x32xf32, #tpu.memory_space<vmem_shared>> -> memref<10112x32xf32, #tpu.memory_space<vmem_shared>>
        tpu.wait_indirect_dma semaphore(%run_scoped3A_129 : memref<!tpu.dma_semaphore, #tpu.memory_space<semaphore_mem>>) src(%dma_wait3A_139 : memref<128x32xf32, #tpu.memory_space<vmem>>) dst(%dma_wait3A_145 : memref<10112x32xf32, #tpu.memory_space<vmem_shared>>)
        tpu.yield
      }) : () -> ()
      %while3A_128 = arith.constant 0 : i32
      scf.yield %while3A_128 : i32
    }
    %while3A_107 = arith.constant 1 : i32
    %while3A_108 = scf.for %while3A_116 = %while3A_104 to %while3A_100 step %while3A_107 iter_args(%while3A_117 = %while3A_106) -> (i32)  : i32 {
      %mul3A_118 = arith.constant 16 : i32
      %mul3A_119 = arith.muli %while3A_116, %mul3A_118 : i32
      %add3A_120 = arith.addi %arg1, %mul3A_119 : i32
      %mul3A_121 = arith.constant 4 : i32
      %mul3A_122 = arith.muli %add3A_120, %mul3A_121 : i32
      "tpu.region"() ({
        %run_scoped3A_129 = tpu.sem_alloc : memref<!tpu.dma_semaphore, #tpu.memory_space<semaphore_mem>>
        %dma_start3A = arith.constant 0 : i32
        %dma_start3A_130 = tpu.memref_slice %arg3[%mul3A_122, %dma_start3A] : memref<2500x128xi32, #tpu.memory_space<hbm>> -> memref<4x128xi32, #tpu.memory_space<hbm>>
        %dma_start3A_131 = arith.constant 0 : i32
        %dma_start3A_132 = tpu.memref_slice %arg3[%mul3A_122, %dma_start3A_131] : memref<2500x128xi32, #tpu.memory_space<hbm>> -> memref<4x128xi32, #tpu.memory_space<hbm>>
        tpu.enqueue_dma source(%dma_start3A_132 : memref<4x128xi32, #tpu.memory_space<hbm>>) target(%arg5 : memref<4x128xi32, #tpu.memory_space<vmem>>) target_semaphore(%run_scoped3A_129 : memref<!tpu.dma_semaphore, #tpu.memory_space<semaphore_mem>>)
        %dma_wait3A = arith.constant 0 : i32
        %dma_wait3A_133 = tpu.memref_slice %arg3[%mul3A_122, %dma_wait3A] : memref<2500x128xi32, #tpu.memory_space<hbm>> -> memref<4x128xi32, #tpu.memory_space<hbm>>
        %dma_wait3A_134 = arith.constant 0 : i32
        %dma_wait3A_135 = tpu.memref_slice %arg3[%mul3A_122, %dma_wait3A_134] : memref<2500x128xi32, #tpu.memory_space<hbm>> -> memref<4x128xi32, #tpu.memory_space<hbm>>
        tpu.wait_dma2 semaphore(%run_scoped3A_129 : memref<!tpu.dma_semaphore, #tpu.memory_space<semaphore_mem>>) src(%dma_wait3A_135 : memref<4x128xi32, #tpu.memory_space<hbm>>) dst(%arg5 : memref<4x128xi32, #tpu.memory_space<vmem>>)
        tpu.yield
      }) : () -> ()
      %mul3A_123 = arith.constant 512 : i32
      %mul3A_124 = arith.muli %add3A_120, %mul3A_123 : i32
      "tpu.region"() ({
        %run_scoped3A_129 = tpu.sem_alloc : memref<!tpu.dma_semaphore, #tpu.memory_space<semaphore_mem>>
        %dma_start3A = arith.constant 96 : i32
        %dma_start3A_130 = tpu.memref_slice %arg2[%mul3A_124, %dma_start3A] : memref<320000x128xf32, #tpu.memory_space<hbm>> -> memref<512x32xf32, #tpu.memory_space<hbm>>
        %dma_start3A_131 = arith.constant 96 : i32
        %dma_start3A_132 = tpu.memref_slice %arg2[%mul3A_124, %dma_start3A_131] : memref<320000x128xf32, #tpu.memory_space<hbm>> -> memref<512x32xf32, #tpu.memory_space<hbm>>
        tpu.enqueue_dma source(%dma_start3A_132 : memref<512x32xf32, #tpu.memory_space<hbm>>) target(%arg6 : memref<512x32xf32, #tpu.memory_space<vmem>>) target_semaphore(%run_scoped3A_129 : memref<!tpu.dma_semaphore, #tpu.memory_space<semaphore_mem>>)
        %dma_wait3A = arith.constant 96 : i32
        %dma_wait3A_133 = tpu.memref_slice %arg2[%mul3A_124, %dma_wait3A] : memref<320000x128xf32, #tpu.memory_space<hbm>> -> memref<512x32xf32, #tpu.memory_space<hbm>>
        %dma_wait3A_134 = arith.constant 96 : i32
        %dma_wait3A_135 = tpu.memref_slice %arg2[%mul3A_124, %dma_wait3A_134] : memref<320000x128xf32, #tpu.memory_space<hbm>> -> memref<512x32xf32, #tpu.memory_space<hbm>>
        tpu.wait_dma2 semaphore(%run_scoped3A_129 : memref<!tpu.dma_semaphore, #tpu.memory_space<semaphore_mem>>) src(%dma_wait3A_135 : memref<512x32xf32, #tpu.memory_space<hbm>>) dst(%arg6 : memref<512x32xf32, #tpu.memory_space<vmem>>)
        tpu.yield
      }) : () -> ()
      %run_scoped3A = arith.constant 0 : i32
      "tpu.region"() ({
        %run_scoped3A_129 = tpu.sem_alloc : memref<!tpu.dma_semaphore, #tpu.memory_space<semaphore_mem>>
        %dma_start3A = arith.constant 0 : i32
        %dma_start3A_130 = arith.constant 0 : i32
        %dma_start3A_131 = tpu.memref_slice %arg6[%dma_start3A, %dma_start3A_130] : memref<512x32xf32, #tpu.memory_space<vmem>> -> memref<128x32xf32, #tpu.memory_space<vmem>>
        %dma_start3A_132 = arith.constant 0 : i32
        %dma_start3A_133 = tpu.memref_slice %arg5[%run_scoped3A, %dma_start3A_132] : memref<4x128xi32, #tpu.memory_space<vmem>> -> memref<1x128xi32, #tpu.memory_space<vmem>>
        %dma_start3A_134 = tpu.memref_squeeze %dma_start3A_133 : memref<1x128xi32, #tpu.memory_space<vmem>> -> memref<128xi32, #tpu.memory_space<vmem>>
        %dma_start3A_135 = arith.constant 0 : i32
        %dma_start3A_136 = arith.constant 0 : i32
        %dma_start3A_137 = tpu.memref_slice %arg9[%dma_start3A_135, %dma_start3A_136] : memref<10112x32xf32, #tpu.memory_space<vmem_shared>> -> memref<10112x32xf32, #tpu.memory_space<vmem_shared>>
        tpu.enqueue_indirect_dma source(%dma_start3A_131 : memref<128x32xf32, #tpu.memory_space<vmem>>) target(%dma_start3A_137 : memref<10112x32xf32, #tpu.memory_space<vmem_shared>>) offsets(%dma_start3A_134 : memref<128xi32, #tpu.memory_space<vmem>>) semaphore(%run_scoped3A_129 : memref<!tpu.dma_semaphore, #tpu.memory_space<semaphore_mem>>) {add = true}
        %dma_wait3A = arith.constant 0 : i32
        %dma_wait3A_138 = arith.constant 0 : i32
        %dma_wait3A_139 = tpu.memref_slice %arg6[%dma_wait3A, %dma_wait3A_138] : memref<512x32xf32, #tpu.memory_space<vmem>> -> memref<128x32xf32, #tpu.memory_space<vmem>>
        %dma_wait3A_140 = arith.constant 0 : i32
        %dma_wait3A_141 = tpu.memref_slice %arg5[%run_scoped3A, %dma_wait3A_140] : memref<4x128xi32, #tpu.memory_space<vmem>> -> memref<1x128xi32, #tpu.memory_space<vmem>>
        %dma_wait3A_142 = tpu.memref_squeeze %dma_wait3A_141 : memref<1x128xi32, #tpu.memory_space<vmem>> -> memref<128xi32, #tpu.memory_space<vmem>>
        %dma_wait3A_143 = arith.constant 0 : i32
        %dma_wait3A_144 = arith.constant 0 : i32
        %dma_wait3A_145 = tpu.memref_slice %arg9[%dma_wait3A_143, %dma_wait3A_144] : memref<10112x32xf32, #tpu.memory_space<vmem_shared>> -> memref<10112x32xf32, #tpu.memory_space<vmem_shared>>
        tpu.wait_indirect_dma semaphore(%run_scoped3A_129 : memref<!tpu.dma_semaphore, #tpu.memory_space<semaphore_mem>>) src(%dma_wait3A_139 : memref<128x32xf32, #tpu.memory_space<vmem>>) dst(%dma_wait3A_145 : memref<10112x32xf32, #tpu.memory_space<vmem_shared>>)
        tpu.yield
      }) : () -> ()
      %run_scoped3A_125 = arith.constant 1 : i32
      "tpu.region"() ({
        %run_scoped3A_129 = tpu.sem_alloc : memref<!tpu.dma_semaphore, #tpu.memory_space<semaphore_mem>>
        %dma_start3A = arith.constant 128 : i32
        %dma_start3A_130 = arith.constant 0 : i32
        %dma_start3A_131 = tpu.memref_slice %arg6[%dma_start3A, %dma_start3A_130] : memref<512x32xf32, #tpu.memory_space<vmem>> -> memref<128x32xf32, #tpu.memory_space<vmem>>
        %dma_start3A_132 = arith.constant 0 : i32
        %dma_start3A_133 = tpu.memref_slice %arg5[%run_scoped3A_125, %dma_start3A_132] : memref<4x128xi32, #tpu.memory_space<vmem>> -> memref<1x128xi32, #tpu.memory_space<vmem>>
        %dma_start3A_134 = tpu.memref_squeeze %dma_start3A_133 : memref<1x128xi32, #tpu.memory_space<vmem>> -> memref<128xi32, #tpu.memory_space<vmem>>
        %dma_start3A_135 = arith.constant 0 : i32
        %dma_start3A_136 = arith.constant 0 : i32
        %dma_start3A_137 = tpu.memref_slice %arg9[%dma_start3A_135, %dma_start3A_136] : memref<10112x32xf32, #tpu.memory_space<vmem_shared>> -> memref<10112x32xf32, #tpu.memory_space<vmem_shared>>
        tpu.enqueue_indirect_dma source(%dma_start3A_131 : memref<128x32xf32, #tpu.memory_space<vmem>>) target(%dma_start3A_137 : memref<10112x32xf32, #tpu.memory_space<vmem_shared>>) offsets(%dma_start3A_134 : memref<128xi32, #tpu.memory_space<vmem>>) semaphore(%run_scoped3A_129 : memref<!tpu.dma_semaphore, #tpu.memory_space<semaphore_mem>>) {add = true}
        %dma_wait3A = arith.constant 128 : i32
        %dma_wait3A_138 = arith.constant 0 : i32
        %dma_wait3A_139 = tpu.memref_slice %arg6[%dma_wait3A, %dma_wait3A_138] : memref<512x32xf32, #tpu.memory_space<vmem>> -> memref<128x32xf32, #tpu.memory_space<vmem>>
        %dma_wait3A_140 = arith.constant 0 : i32
        %dma_wait3A_141 = tpu.memref_slice %arg5[%run_scoped3A_125, %dma_wait3A_140] : memref<4x128xi32, #tpu.memory_space<vmem>> -> memref<1x128xi32, #tpu.memory_space<vmem>>
        %dma_wait3A_142 = tpu.memref_squeeze %dma_wait3A_141 : memref<1x128xi32, #tpu.memory_space<vmem>> -> memref<128xi32, #tpu.memory_space<vmem>>
        %dma_wait3A_143 = arith.constant 0 : i32
        %dma_wait3A_144 = arith.constant 0 : i32
        %dma_wait3A_145 = tpu.memref_slice %arg9[%dma_wait3A_143, %dma_wait3A_144] : memref<10112x32xf32, #tpu.memory_space<vmem_shared>> -> memref<10112x32xf32, #tpu.memory_space<vmem_shared>>
        tpu.wait_indirect_dma semaphore(%run_scoped3A_129 : memref<!tpu.dma_semaphore, #tpu.memory_space<semaphore_mem>>) src(%dma_wait3A_139 : memref<128x32xf32, #tpu.memory_space<vmem>>) dst(%dma_wait3A_145 : memref<10112x32xf32, #tpu.memory_space<vmem_shared>>)
        tpu.yield
      }) : () -> ()
      %run_scoped3A_126 = arith.constant 2 : i32
      "tpu.region"() ({
        %run_scoped3A_129 = tpu.sem_alloc : memref<!tpu.dma_semaphore, #tpu.memory_space<semaphore_mem>>
        %dma_start3A = arith.constant 256 : i32
        %dma_start3A_130 = arith.constant 0 : i32
        %dma_start3A_131 = tpu.memref_slice %arg6[%dma_start3A, %dma_start3A_130] : memref<512x32xf32, #tpu.memory_space<vmem>> -> memref<128x32xf32, #tpu.memory_space<vmem>>
        %dma_start3A_132 = arith.constant 0 : i32
        %dma_start3A_133 = tpu.memref_slice %arg5[%run_scoped3A_126, %dma_start3A_132] : memref<4x128xi32, #tpu.memory_space<vmem>> -> memref<1x128xi32, #tpu.memory_space<vmem>>
        %dma_start3A_134 = tpu.memref_squeeze %dma_start3A_133 : memref<1x128xi32, #tpu.memory_space<vmem>> -> memref<128xi32, #tpu.memory_space<vmem>>
        %dma_start3A_135 = arith.constant 0 : i32
        %dma_start3A_136 = arith.constant 0 : i32
        %dma_start3A_137 = tpu.memref_slice %arg9[%dma_start3A_135, %dma_start3A_136] : memref<10112x32xf32, #tpu.memory_space<vmem_shared>> -> memref<10112x32xf32, #tpu.memory_space<vmem_shared>>
        tpu.enqueue_indirect_dma source(%dma_start3A_131 : memref<128x32xf32, #tpu.memory_space<vmem>>) target(%dma_start3A_137 : memref<10112x32xf32, #tpu.memory_space<vmem_shared>>) offsets(%dma_start3A_134 : memref<128xi32, #tpu.memory_space<vmem>>) semaphore(%run_scoped3A_129 : memref<!tpu.dma_semaphore, #tpu.memory_space<semaphore_mem>>) {add = true}
        %dma_wait3A = arith.constant 256 : i32
        %dma_wait3A_138 = arith.constant 0 : i32
        %dma_wait3A_139 = tpu.memref_slice %arg6[%dma_wait3A, %dma_wait3A_138] : memref<512x32xf32, #tpu.memory_space<vmem>> -> memref<128x32xf32, #tpu.memory_space<vmem>>
        %dma_wait3A_140 = arith.constant 0 : i32
        %dma_wait3A_141 = tpu.memref_slice %arg5[%run_scoped3A_126, %dma_wait3A_140] : memref<4x128xi32, #tpu.memory_space<vmem>> -> memref<1x128xi32, #tpu.memory_space<vmem>>
        %dma_wait3A_142 = tpu.memref_squeeze %dma_wait3A_141 : memref<1x128xi32, #tpu.memory_space<vmem>> -> memref<128xi32, #tpu.memory_space<vmem>>
        %dma_wait3A_143 = arith.constant 0 : i32
        %dma_wait3A_144 = arith.constant 0 : i32
        %dma_wait3A_145 = tpu.memref_slice %arg9[%dma_wait3A_143, %dma_wait3A_144] : memref<10112x32xf32, #tpu.memory_space<vmem_shared>> -> memref<10112x32xf32, #tpu.memory_space<vmem_shared>>
        tpu.wait_indirect_dma semaphore(%run_scoped3A_129 : memref<!tpu.dma_semaphore, #tpu.memory_space<semaphore_mem>>) src(%dma_wait3A_139 : memref<128x32xf32, #tpu.memory_space<vmem>>) dst(%dma_wait3A_145 : memref<10112x32xf32, #tpu.memory_space<vmem_shared>>)
        tpu.yield
      }) : () -> ()
      %run_scoped3A_127 = arith.constant 3 : i32
      "tpu.region"() ({
        %run_scoped3A_129 = tpu.sem_alloc : memref<!tpu.dma_semaphore, #tpu.memory_space<semaphore_mem>>
        %dma_start3A = arith.constant 384 : i32
        %dma_start3A_130 = arith.constant 0 : i32
        %dma_start3A_131 = tpu.memref_slice %arg6[%dma_start3A, %dma_start3A_130] : memref<512x32xf32, #tpu.memory_space<vmem>> -> memref<128x32xf32, #tpu.memory_space<vmem>>
        %dma_start3A_132 = arith.constant 0 : i32
        %dma_start3A_133 = tpu.memref_slice %arg5[%run_scoped3A_127, %dma_start3A_132] : memref<4x128xi32, #tpu.memory_space<vmem>> -> memref<1x128xi32, #tpu.memory_space<vmem>>
        %dma_start3A_134 = tpu.memref_squeeze %dma_start3A_133 : memref<1x128xi32, #tpu.memory_space<vmem>> -> memref<128xi32, #tpu.memory_space<vmem>>
        %dma_start3A_135 = arith.constant 0 : i32
        %dma_start3A_136 = arith.constant 0 : i32
        %dma_start3A_137 = tpu.memref_slice %arg9[%dma_start3A_135, %dma_start3A_136] : memref<10112x32xf32, #tpu.memory_space<vmem_shared>> -> memref<10112x32xf32, #tpu.memory_space<vmem_shared>>
        tpu.enqueue_indirect_dma source(%dma_start3A_131 : memref<128x32xf32, #tpu.memory_space<vmem>>) target(%dma_start3A_137 : memref<10112x32xf32, #tpu.memory_space<vmem_shared>>) offsets(%dma_start3A_134 : memref<128xi32, #tpu.memory_space<vmem>>) semaphore(%run_scoped3A_129 : memref<!tpu.dma_semaphore, #tpu.memory_space<semaphore_mem>>) {add = true}
        %dma_wait3A = arith.constant 384 : i32
        %dma_wait3A_138 = arith.constant 0 : i32
        %dma_wait3A_139 = tpu.memref_slice %arg6[%dma_wait3A, %dma_wait3A_138] : memref<512x32xf32, #tpu.memory_space<vmem>> -> memref<128x32xf32, #tpu.memory_space<vmem>>
        %dma_wait3A_140 = arith.constant 0 : i32
        %dma_wait3A_141 = tpu.memref_slice %arg5[%run_scoped3A_127, %dma_wait3A_140] : memref<4x128xi32, #tpu.memory_space<vmem>> -> memref<1x128xi32, #tpu.memory_space<vmem>>
        %dma_wait3A_142 = tpu.memref_squeeze %dma_wait3A_141 : memref<1x128xi32, #tpu.memory_space<vmem>> -> memref<128xi32, #tpu.memory_space<vmem>>
        %dma_wait3A_143 = arith.constant 0 : i32
        %dma_wait3A_144 = arith.constant 0 : i32
        %dma_wait3A_145 = tpu.memref_slice %arg9[%dma_wait3A_143, %dma_wait3A_144] : memref<10112x32xf32, #tpu.memory_space<vmem_shared>> -> memref<10112x32xf32, #tpu.memory_space<vmem_shared>>
        tpu.wait_indirect_dma semaphore(%run_scoped3A_129 : memref<!tpu.dma_semaphore, #tpu.memory_space<semaphore_mem>>) src(%dma_wait3A_139 : memref<128x32xf32, #tpu.memory_space<vmem>>) dst(%dma_wait3A_145 : memref<10112x32xf32, #tpu.memory_space<vmem_shared>>)
        tpu.yield
      }) : () -> ()
      %while3A_128 = arith.constant 0 : i32
      scf.yield %while3A_128 : i32
    }
    %barrier3A_109 = arith.constant 0 : index
    tpu.barrier barrier_id(%barrier3A_109)
    %eq3A_110 = arith.constant 1 : i32
    %eq3A_111 = arith.cmpi eq, %arg0, %eq3A_110 : i32
    %convert_element_type3A_112 = arith.extui %eq3A_111 : i1 to i32
    %cond3A_113 = arith.constant 0 : i32
    %cond3A_114 = arith.cmpi ne, %convert_element_type3A_112, %cond3A_113 : i32
    scf.if %cond3A_114 {
      %mul3A_116 = arith.constant 632 : i32
      %mul3A_117 = arith.muli %arg1, %mul3A_116 : i32
      "tpu.region"() ({
        %run_scoped3A_122 = tpu.sem_alloc : memref<!tpu.dma_semaphore, #tpu.memory_space<semaphore_mem>>
        %dma_start3A = arith.constant 0 : i32
        %dma_start3A_123 = tpu.memref_slice %arg9[%mul3A_117, %dma_start3A] : memref<10112x32xf32, #tpu.memory_space<vmem_shared>> -> memref<632x32xf32, #tpu.memory_space<vmem_shared>>
        %dma_start3A_124 = arith.constant 0 : i32
        %dma_start3A_125 = tpu.memref_slice %arg9[%mul3A_117, %dma_start3A_124] : memref<10112x32xf32, #tpu.memory_space<vmem_shared>> -> memref<632x32xf32, #tpu.memory_space<vmem_shared>>
        tpu.enqueue_dma source(%dma_start3A_125 : memref<632x32xf32, #tpu.memory_space<vmem_shared>>) target(%arg8 : memref<632x32xf32, #tpu.memory_space<vmem>>) target_semaphore(%run_scoped3A_122 : memref<!tpu.dma_semaphore, #tpu.memory_space<semaphore_mem>>)
        %dma_wait3A = arith.constant 0 : i32
        %dma_wait3A_126 = tpu.memref_slice %arg9[%mul3A_117, %dma_wait3A] : memref<10112x32xf32, #tpu.memory_space<vmem_shared>> -> memref<632x32xf32, #tpu.memory_space<vmem_shared>>
        %dma_wait3A_127 = arith.constant 0 : i32
        %dma_wait3A_128 = tpu.memref_slice %arg9[%mul3A_117, %dma_wait3A_127] : memref<10112x32xf32, #tpu.memory_space<vmem_shared>> -> memref<632x32xf32, #tpu.memory_space<vmem_shared>>
        tpu.wait_dma2 semaphore(%run_scoped3A_122 : memref<!tpu.dma_semaphore, #tpu.memory_space<semaphore_mem>>) src(%dma_wait3A_128 : memref<632x32xf32, #tpu.memory_space<vmem_shared>>) dst(%arg8 : memref<632x32xf32, #tpu.memory_space<vmem>>)
        tpu.yield
      }) : () -> ()
      %mul3A_118 = arith.constant 632 : i32
      %mul3A_119 = arith.muli %arg1, %mul3A_118 : i32
      %run_scoped3A = arith.constant 3 : i32
      "tpu.region"() ({
        %run_scoped3A_122 = tpu.sem_alloc : memref<!tpu.dma_semaphore, #tpu.memory_space<semaphore_mem>>
        %dma_start3A = arith.constant 0 : i32
        %dma_start3A_123 = tpu.memref_slice %arg4[%run_scoped3A, %mul3A_119, %dma_start3A] : memref<4x10112x32xf32, #tpu.memory_space<hbm>> -> memref<1x632x32xf32, #tpu.memory_space<hbm>>
        %dma_start3A_124 = tpu.memref_squeeze %dma_start3A_123 : memref<1x632x32xf32, #tpu.memory_space<hbm>> -> memref<632x32xf32, #tpu.memory_space<hbm>>
        %dma_start3A_125 = arith.constant 0 : i32
        %dma_start3A_126 = tpu.memref_slice %arg4[%run_scoped3A, %mul3A_119, %dma_start3A_125] : memref<4x10112x32xf32, #tpu.memory_space<hbm>> -> memref<1x632x32xf32, #tpu.memory_space<hbm>>
        %dma_start3A_127 = tpu.memref_squeeze %dma_start3A_126 : memref<1x632x32xf32, #tpu.memory_space<hbm>> -> memref<632x32xf32, #tpu.memory_space<hbm>>
        tpu.enqueue_dma source(%arg8 : memref<632x32xf32, #tpu.memory_space<vmem>>) target(%dma_start3A_127 : memref<632x32xf32, #tpu.memory_space<hbm>>) target_semaphore(%run_scoped3A_122 : memref<!tpu.dma_semaphore, #tpu.memory_space<semaphore_mem>>)
        %dma_wait3A = arith.constant 0 : i32
        %dma_wait3A_128 = tpu.memref_slice %arg4[%run_scoped3A, %mul3A_119, %dma_wait3A] : memref<4x10112x32xf32, #tpu.memory_space<hbm>> -> memref<1x632x32xf32, #tpu.memory_space<hbm>>
        %dma_wait3A_129 = tpu.memref_squeeze %dma_wait3A_128 : memref<1x632x32xf32, #tpu.memory_space<hbm>> -> memref<632x32xf32, #tpu.memory_space<hbm>>
        %dma_wait3A_130 = arith.constant 0 : i32
        %dma_wait3A_131 = tpu.memref_slice %arg4[%run_scoped3A, %mul3A_119, %dma_wait3A_130] : memref<4x10112x32xf32, #tpu.memory_space<hbm>> -> memref<1x632x32xf32, #tpu.memory_space<hbm>>
        %dma_wait3A_132 = tpu.memref_squeeze %dma_wait3A_131 : memref<1x632x32xf32, #tpu.memory_space<hbm>> -> memref<632x32xf32, #tpu.memory_space<hbm>>
        tpu.wait_dma2 semaphore(%run_scoped3A_122 : memref<!tpu.dma_semaphore, #tpu.memory_space<semaphore_mem>>) src(%arg8 : memref<632x32xf32, #tpu.memory_space<vmem>>) dst(%dma_wait3A_132 : memref<632x32xf32, #tpu.memory_space<hbm>>)
        tpu.yield
      }) : () -> ()
      %mul3A_120 = arith.constant 632 : i32
      %mul3A_121 = arith.muli %arg1, %mul3A_120 : i32
      "tpu.region"() ({
        %run_scoped3A_122 = tpu.sem_alloc : memref<!tpu.dma_semaphore, #tpu.memory_space<semaphore_mem>>
        %dma_start3A = arith.constant 0 : i32
        %dma_start3A_123 = tpu.memref_slice %arg9[%mul3A_121, %dma_start3A] : memref<10112x32xf32, #tpu.memory_space<vmem_shared>> -> memref<632x32xf32, #tpu.memory_space<vmem_shared>>
        %dma_start3A_124 = arith.constant 0 : i32
        %dma_start3A_125 = tpu.memref_slice %arg9[%mul3A_121, %dma_start3A_124] : memref<10112x32xf32, #tpu.memory_space<vmem_shared>> -> memref<632x32xf32, #tpu.memory_space<vmem_shared>>
        tpu.enqueue_dma source(%arg7 : memref<632x32xf32, #tpu.memory_space<vmem>>) target(%dma_start3A_125 : memref<632x32xf32, #tpu.memory_space<vmem_shared>>) target_semaphore(%run_scoped3A_122 : memref<!tpu.dma_semaphore, #tpu.memory_space<semaphore_mem>>)
        %dma_wait3A = arith.constant 0 : i32
        %dma_wait3A_126 = tpu.memref_slice %arg9[%mul3A_121, %dma_wait3A] : memref<10112x32xf32, #tpu.memory_space<vmem_shared>> -> memref<632x32xf32, #tpu.memory_space<vmem_shared>>
        %dma_wait3A_127 = arith.constant 0 : i32
        %dma_wait3A_128 = tpu.memref_slice %arg9[%mul3A_121, %dma_wait3A_127] : memref<10112x32xf32, #tpu.memory_space<vmem_shared>> -> memref<632x32xf32, #tpu.memory_space<vmem_shared>>
        tpu.wait_dma2 semaphore(%run_scoped3A_122 : memref<!tpu.dma_semaphore, #tpu.memory_space<semaphore_mem>>) src(%arg7 : memref<632x32xf32, #tpu.memory_space<vmem>>) dst(%dma_wait3A_128 : memref<632x32xf32, #tpu.memory_space<vmem_shared>>)
        tpu.yield
      }) : () -> ()
    } else {
    }
    %barrier3A_115 = arith.constant 0 : index
    tpu.barrier barrier_id(%barrier3A_115)
    return
  }
}

</mosaic_0001>

<sc_bundles>
// kernel: _segsum_cols_sc.3.cloned.1.call-start
scs
__scs_entry_jumppad:
0x0: {  	(pc) =	sbr.rel $0x88, $3  }
0x1: {  	(tag) =	ssettag $0x0;
	lr =	simm.s32 $0x1  }
0x2: {  	[smem:$0x3F9F] =	sst lr;
	_ =	strace $0xD0000000  }
0x3: {  	_ = 	snop  }
0x4: {  	_ = 	snop  }
0x5: {  	_ = 	snop  }
0x6: {  	_ = 	snop  }
0x7: {  	_ = 	snop  }
__scs_overlays_trampoline_lowered:
0x8: {  	[smem:$0x3FAE] =	sst s0  }
0x9: {  	[smem:$0x3FAF] =	sst s1  }
0xa: {  	[smem:$0x3FB0] =	sst s2  }
0xb: {  	[smem:$0x3FB1] =	sst s3  }
0xc: {  	[smem:$0x3FB2] =	sst s4  }
0xd: {  	[smem:$0x3FB3] =	sst s5  }
0xe: {  	[smem:$0x3FB4] =	sst s6  }
0xf: {  	[smem:$0x3FB5] =	sst s7  }
0x10: {  	[smem:$0x3FB6] =	sst s8  }
0x11: {  	[smem:$0x3FB7] =	sst s9;
	s0 =	simm.s32 @!p0 $0x0  }
0x12: {  	s1 =	sld [smem:$0x3F9D];
	s0 =	simm.s32 @p0 $0x1  }
0x13: {  	[smem:$0x3FB8] =	sst s0;
	s0 =	simm.s32 @!p1 $0x0  }
0x14: {  	s2 =	sld [smem:$0x3F9C];
	s0 =	simm.s32 @p1 $0x1  }
0x15: {  	[smem:$0x3FB9] =	sst s0;
	s0 =	simm.s32 @!p2 $0x0  }
0x16: {  	s3 =	sld [smem:$0x3FDB];
	s0 =	simm.s32 @p2 $0x1  }
0x17: {  	s4 =	simm.s32 $0x1BF5;
	[smem:$0x3FBB] =	sst s0  }
0x18: {  	s0 =	sld [smem:$0x3F9E];
	_ =	swait.ge [sflag:s4], $0x0  }
0x19: {  	s7 =	sld [smem:$0x3F9F]  }
0x1a: {  	s8 =	sadd.s32 $0xFFFFE003, lr  }
0x1b: {  	s9 =	sadd.s32 $0xFFFFFEF7, lr;
	s5 =	simm.s32 $0xFFFFFFFF;
	p2 =	slt.u32 s8, $0xFFFFF086  }
0x1c: {  	p1 =	slt.u32 s9, $0xF7A;
	s5 =	simm.s32 @!p2 $0x0  }
0x1d: {  	s5 =	simm.s32 @p1 $0x1;
	p0 =	seq.s32 s7, s2  }
0x1e: {  	s7 =	smul.u32 @!p0 $0xF7A, s2;
	p2 =	seq.s32 @!p0 s5, $0x0  }
0x1f: {  	s9 =	smul.u32 $0xF7A, s1;
	s8 =	simm.s32 @!p0 $0x1BF5;
	p2 =	por !p2, p0  }
0x20: {  	[sflag:s8] =	ssyncset.s32 @!p0 $0xFFFFF086;
	s6 =	sadd.s32 @!p0 s3, s7;
	s7 =	simm.s32 @!p0 $0x108  }
0x21: {  	s3 =	sadd.s32 s3, s9;
	s6 =	sadd.s32 @!p0 $0x88, s6;
	s7 =	simm.s32 @p2 $0x1082  }
0x22: {  	[simem:s7], [sflag:s8] =	dma.local @!p0 [hbm:s6], $0xF7A  }
0x23: {  	s9 =	sor.u32 $0xD0000000, s2;
	s6 =	simm.s32 $0x108;
	_ =	swait.ge @!p0 [sflag:s8], $0x0  }
0x24: {  	s3 =	sadd.s32 $0x88, s3;
	s6 =	simm.s32 @!p1 $0x1082;
	[sflag:s4] =	ssyncset.s32 $0xFFFFF086  }
0x25: {  	[simem:s6], [sflag:s4] =	dma.local [hbm:s3], $0xF7A  }
0x26: {  	[smem:$0x3F9F] =	sst s1;
	(tag) =	ssettag s2;
	_ =	strace s9  }
0x27: {  	s1 =	sld [smem:$0x3FAF]  }
0x28: {  	s2 =	sld [smem:$0x3FB0]  }
0x29: {  	s4 =	sld [smem:$0x3FB2]  }
0x2a: {  	p0 =	seq.s32 s5, $0x0;
	s5 =	sld [smem:$0x3FB3]  }
0x2b: {  	s6 =	sld [smem:$0x3FB4]  }
0x2c: {  	s7 =	sld [smem:$0x3FB5]  }
0x2d: {  	s3 =	simm.s32 $0x108;
	s8 =	sld [smem:$0x3FB6]  }
0x2e: {  	s3 =	simm.s32 @!p0 $0x1082;
	s9 =	sld [smem:$0x3FB7]  }
0x2f: {  	lr =	sadd.s32 s0, s3;
	s0 =	sld [smem:$0x3FAE]  }
0x30: {  	s3 =	sld [smem:$0x3FB1]  }
0x31: {  	[smem:$0x3FBA] =	sst s10  }
0x32: {  	s10 =	sld [smem:$0x3FB8];
	_ =	sdelay $0x3  }
0x33: {  	p0 =	seq.s32 s10, $0x1;
	s10 =	sld [smem:$0x3FBA];
	_ =	sdelay $0x3  }
0x34: {  	[smem:$0x3FBA] =	sst s10  }
0x35: {  	s10 =	sld [smem:$0x3FB9];
	_ =	sdelay $0x3  }
0x36: {  	p1 =	seq.s32 s10, $0x1;
	s10 =	sld [smem:$0x3FBA];
	_ =	sdelay $0x3  }
0x37: {  	[smem:$0x3FBA] =	sst s10  }
0x38: {  	s10 =	sld [smem:$0x3FBB]  }
0x39: {  	_ = 	snop;
	(pc) =	sbr.ind lr, $3  }
0x3a: {  	_ = 	snop  }
0x3b: {  	_ = 	snop  }
0x3c: {  	p2 =	seq.s32 s10, $0x1;
	s10 =	sld [smem:$0x3FBA]  }
0x3d: {  	_ =	shalt  }
0x3e: {  	_ =	shalt  }
0x3f: {  	_ =	shalt  }
0x40: {  	_ =	shalt  }
0x41: {  	_ =	shalt  }
0x42: {  	_ =	shalt  }
0x43: {  	_ =	shalt  }
0x44: {  	_ =	shalt  }
0x45: {  	_ =	shalt  }
0x46: {  	_ =	shalt  }
0x47: {  	_ =	shalt  }
0x48: {  	_ =	shalt  }
0x49: {  	_ =	shalt  }
0x4a: {  	_ =	shalt  }
0x4b: {  	_ =	shalt  }
0x4c: {  	_ =	shalt  }
0x4d: {  	_ =	shalt  }
0x4e: {  	_ =	shalt  }
0x4f: {  	_ =	shalt  }
0x50: {  	_ =	shalt  }
0x51: {  	_ =	shalt  }
0x52: {  	_ =	shalt  }
0x53: {  	_ =	shalt  }
0x54: {  	_ =	shalt  }
0x55: {  	_ =	shalt  }
0x56: {  	_ =	shalt  }
0x57: {  	_ =	shalt  }
0x58: {  	_ =	shalt  }
0x59: {  	_ =	shalt  }
0x5a: {  	_ =	shalt  }
0x5b: {  	_ =	shalt  }
0x5c: {  	_ =	shalt  }
0x5d: {  	_ =	shalt  }
0x5e: {  	_ =	shalt  }
0x5f: {  	_ =	shalt  }
0x60: {  	_ =	shalt  }
0x61: {  	_ =	shalt  }
0x62: {  	_ =	shalt  }
0x63: {  	_ =	shalt  }
0x64: {  	_ =	shalt  }
0x65: {  	_ =	shalt  }
0x66: {  	_ =	shalt  }
0x67: {  	_ =	shalt  }
0x68: {  	_ =	shalt  }
0x69: {  	_ =	shalt  }
0x6a: {  	_ =	shalt  }
0x6b: {  	_ =	shalt  }
0x6c: {  	_ =	shalt  }
0x6d: {  	_ =	shalt  }
0x6e: {  	_ =	shalt  }
0x6f: {  	_ =	shalt  }
0x70: {  	_ =	shalt  }
0x71: {  	_ =	shalt  }
0x72: {  	_ =	shalt  }
0x73: {  	_ =	shalt  }
0x74: {  	_ =	shalt  }
0x75: {  	_ =	shalt  }
0x76: {  	_ =	shalt  }
0x77: {  	_ =	shalt  }
0x78: {  	_ =	shalt  }
0x79: {  	_ =	shalt  }
0x7a: {  	_ =	shalt  }
0x7b: {  	_ =	shalt  }
0x7c: {  	_ =	shalt  }
0x7d: {  	_ =	shalt  }
0x7e: {  	_ =	shalt  }
0x7f: {  	_ =	shalt  }
0x80: {  	_ =	shalt  }
0x81: {  	_ =	shalt  }
0x82: {  	_ =	shalt  }
0x83: {  	_ =	shalt  }
0x84: {  	_ =	shalt  }
0x85: {  	_ =	shalt  }
0x86: {  	_ =	shalt  }
0x87: {  	_ =	shalt  }
.Lfunc_end0:
.L_simem_size_0:
called_computation_lowered:
.L_overlay_start_0:
0x88: {  	s2 =	sld [smem:$0x3FD9]  }
0x89: {  	s3 =	sld [smem:$0x3FFE];
	_ =	sdelay $0x1  }
0x8a: {  	s1 =	srdreg.scid  }
0x8b: {  	s0 =	sand.u32 $0x1, s1  }
0x8c: {  	s18 =	sshll.u32 s0, $0xA;
	s2 =	sadd.s32 s3, s2  }
0x8d: {  	s2 =	sadd.s32 s2, s18  }
0x8e: {  	[smem:$0x3FC6] =	sst s2  }
0x8f: {  	_ = 	snop  }
0x90: {  	s2 =	sld [smem:$0x3FC9]  }
0x91: {  	s19 =	sld [smem:$0x3FC8]  }
0x92: {  	s4 =	sld [smem:$0x3FD0];
	(tm) =	ssettm $0x1  }
0x93: {  	s5 =	sld [smem:$0x3FFB];
	_ =	sdelay $0x3  }
0x94: {  	_ =	strace s5  }
0x95: {  	s5 =	sld [smem:$0x3FFC];
	_ =	sdelay $0x3  }
0x96: {  	_ =	strace s5  }
0x97: {  	s5 =	sld [smem:$0x3FFD];
	_ =	sdelay $0x3  }
0x98: {  	_ =	strace s5  }
0x99: {  	_ =	strace $0x8FFFFFFF  }
0x9a: {  	s20 =	sld [smem:$0x3FDB];
	_ =	sdelay $0x1  }
0x9b: {  	s6 =	simm.s32 $_scs_section_size  }
0x9c: {  	s7 =	simm.s32 $_size__tile_overlayer_lowered;
	s8 =	simm.s32 $_tile_overlayer_lowered  }
0x9d: {  	s23 =	simm.s32 $0x1BFF;
	s22 =	sshll.u32 s8, $0x1;
	s5 =	sadd.s32 s6, s20  }
0x9e: {  	s9 =	simm.s32 $0x0;
	s21 =	sshll.u32 s7, $0x1;
	s7 =	sadd.s32 s22, s5  }
0x9f: {  	[timem:s9], [sflag:s23] =	dma.local [hbm:s7], s21  }
0xa0: {  	_ =	swait.ge [sflag:s23], s21  }
0xa1: {  	s6 =	ssub.s32 $0x0, s21;
	[sflag:s23] =	ssyncset.done $0x0  }
0xa2: {  	[sflag:s23] =	ssyncadd.s32 s6;
	_ =	sdelay $0x1  }
0xa3: {  	s24 =	simm.s32 $0x1B8B  }
0xa4: {  	_ =	swait.ge [sflag:s24], $0x1  }
0xa5: {  	[sflag:s24] =	ssyncset.done $0x0  }
0xa6: {  	s25 =	simm.s32 $0x1B8E;
	[sflag:s24] =	ssyncadd.s32 $0xFFFFFFFF  }
0xa7: {  	s26 =	simm.s32 $execute0_lowered;
	[smem:$0x3FD2] =	sst s25  }
0xa8: {  	s6 =	sshll.u32 s26, $0x1;
	_ =	strace $0x80000046;
	[dreg:$0x1] =	wrdreg $0xFFFFFFFF  }
0xa9: {  	s28 =	simm.s32 $_size_execute0_lowered;
	s5 =	sadd.s32 s5, s6;
	[dreg:$0x0] =	wrdreg $0x0  }
0xaa: {  	s6 =	sshll.u32 s28, $0x1;
	[dreg:$0x2] =	wrdreg s5  }
0xab: {  	[dreg:$0x3] =	wrdreg s6  }
0xac: {  	[dreg:$0x4] =	wrdreg $0xC0  }
0xad: {  	_ =	task [dreg:s9], $0x5FFFF  }
0xae: {  	[dreg:$0x1] =	wrdreg $0xFFFFFFFF  }
0xaf: {  	[dreg:$0x0] =	wrdreg $0x60  }
0xb0: {  	[dreg:$0x2] =	wrdreg s2  }
0xb1: {  	[dreg:$0x3] =	wrdreg s19  }
0xb2: {  	[dreg:$0x4] =	wrdreg s4  }
0xb3: {  	[dreg:$0x5] =	wrdreg $0xE0000  }
0xb4: {  	[dreg:$0x6] =	wrdreg $0x9  }
0xb5: {  	_ =	task.clear_ibuf [dreg:s9], $0x7FFFF;
	_ =	strace $0x90000046  }
0xb6: {  	s29 =	simm.s32 $0x9;
	_ =	strace $0x80000048  }
0xb7: {  	_ =	swait.ge [sflag:s29], $0x1  }
0xb8: {  	[sflag:s29] =	ssyncadd.s32 $0xFFFFFFFF  }
0xb9: {  	_ =	strace $0x90000048  }
0xba: {  	_ =	sfence  }
0xbb: {  	s30 =	sld [smem:$0x0];
	_ =	sdelay $0x2  }
0xbc: {  	s31 =	sshll.u32 s1, $0xD;
	s1 =	sshrl.u32 s1, $0x2  }
0xbd: {  	s3 =	sand.u32 $0x4000, s31;
	s1 =	sadd.s32 s1, s30  }
0xbe: {  	s0 =	sor.u32 s3, s0;
	s1 =	sshll.u32 s1, $0x11  }
0xbf: {  	s0 =	sor.u32 s1, s0  }
0xc0: {  	s0 =	sadd.s32 $0x8F2B, s0  }
0xc1: {  	[sflag:s0] =	ssyncadd.remote.s32 $0x1  }
0xc2: {  	_ =	sfence.sel $0xFFFF  }
0xc3: {  	[dreg:$0x0] =	wrdreg $0xFFFFFFFF;
	(pc) =	sbr.abs _section_cstart, $3  }
0xc4: {  	[dreg:$0x1] =	wrdreg $0xFFFFFFFF  }
0xc5: {  	_ =	task.clear_ibuf [dreg:s9], $0x2FFFF;
	_ =	strace $0x9FFFFFFF  }
0xc6: {  	(tm) =	ssettm $0x7FFFFFFF  }
0xc7: {  	_ =	shalt  }
tec
execute0_lowered:
.L_overlay_start_1:
0x0: {  	(tag) =	ssettag $0x1  }
0x1: {  	s10 =	rddreg [dreg:$0x0]  }
0x2: {  	s12 =	rddreg [dreg:$0x1]  }
0x3: {  	s6 =	rddreg [dreg:$0x2]  }
0x4: {  	s2 =	rddreg [dreg:$0x3]  }
0x5: {  	s0 =	rddreg [dreg:$0x4];
	s4 =	srdreg.scid  }
0x6: {  	s3 =	simm.s32 $0x0;
	s1 =	stileid.u32;
	s17 =	simm.s32 $0x1  }
0x7: {  	s18 =	simm.s32 $0x20;
	s19 =	simm.s32 $0x80;
	s20 =	simm.s32 $0x200  }
0x8: {  	s21 =	simm.s32 $0x1200;
	s22 =	simm.s32 $0x100;
	s23 =	simm.s32 $0x2200  }
0x9: {  	s24 =	simm.s32 $0x180;
	s25 =	simm.s32 $0x3200;
	s26 =	simm.s32 $0x9100  }
0xa: {  	s28 =	simm.s32 $0x0;
	s16 =	sand.u32 $0x1, s4;
	[smem:$0x7FF] =	sst s3  }
0xb: {  	s5 =	smul.u32 $0x4F00, s1;
	s31 =	ssub.s32 $0x280, s1;
	s13 =	sshll.u32 s1, $0xD  }
0xc: {  	s14 =	sshll.u32 s1, $0x6;
	s4 =	ssub.s32 $0x2, s16;
	_ =	strace $0x80000047  }
0xd: {  	s10 =	sadd.s32 s13, s10;
	s12 =	sadd.s32 s14, s12;
	p0 =	sne.s32 s16, $0x0  }
.Ltmp0:
0xe: {  	s16 =	simm.s32 $0x4200;
	s7 =	sshrl.u32 s4, $0x1;
	(pc) =	sbr.rel .LBB2_1-.Ltmp0, $4  }
0xf: {  	s8 =	sshrl.u32 s5, $0x3;
	s13 =	sadd.s32 $0x8, s10;
	s14 =	sadd.s32 $0xC, s10  }
0x10: {  	s15 =	sadd.s32 $0x4, s10;
	s11 =	ssub.s32 s4, s7;
	s6 =	sadd.s32 s6, s8  }
0x11: {  	s4 =	sadd.s32 s5, s2;
	s5 =	sshrl.u32 s31, $0x4;
	s7 =	sadd.s32 $0x9E00, s6  }
0x12: {  	v0 =	vimm.f32 $0.0e+00;
	s8 =	sadd.s32 $0x13C00, s6;
	s9 =	sadd.s32 $0x1DA00, s6;
	s11 =	smax.u32 s11, $0x1  }
.LBB2_13:
0x13: {  	[sflag:s17] =	ssyncadd.s32 $0xFFFFF000  }
0x14: {  	[bflag:$0x0] =	sbarrier.arrive $0xFFFF  }
0x15: {  	[tilespmem:s26], [sflag:$0x1] =	stream.linear.gather [spmem:s4], $0x4F00, $0x38;
	[tilespmem:$0x12F00] =	vst v63  }
0x16: {  	_ =	swait.ge [sflag:s17], $0x4F00  }
0x17: {  	[sflag:s17] =	ssyncset.done $0x0  }
0x18: {  	[sflag:s17] =	ssyncadd.s32 $0xFFFFB100  }
0x19: {  	[hbm4b:s9+s3] =	stream.linear.scatter [tilespmem:s26], [sflag:$0x1], $0x4F00, $0x38;
	[tilespmem:$0x12F00] =	vst v63  }
0x1a: {  	_ =	swait.ge [sflag:s17], $0x4F00  }
0x1b: {  	[sflag:s17] =	ssyncset.done $0x0  }
0x1c: {  	[sflag:s17] =	ssyncadd.s32 $0xFFFFB100  }
0x1d: {  	[spmem:s4] =	stream.linear.scatter [tilespmem:s16], [sflag:$0x1], $0x4F00, $0x38;
	[tilespmem:$0x12F00] =	vst v63  }
0x1e: {  	_ =	swait.ge [sflag:s17], $0x4F00  }
0x1f: {  	[sflag:s17] =	ssyncset.done $0x0  }
0x20: {  	[sflag:s17] =	ssyncadd.s32 $0xFFFFB100  }
.LBB2_14:
0x21: {  	s28 =	sadd.s32 $0x1, s28  }
0x22: {  	p1 =	sne.s32 s28, s11  }
.Ltmp1:
0x23: {  	_ = 	snop;
	(pc) =	sbr.rel @!p1 .LBB2_15-.Ltmp1, $2  }
0x24: {  	_ =	sdelay $0x1  }
0x25: {  	[bflag:$0x0] =	sbarrier.arrive $0xFFFF;
	_ =	sdelay $0x1  }
.LBB2_1:
0x26: {  	s29 =	simm.s32 $0x80;
	s30 =	simm.s32 $0x0  }
.LBB2_2:
0x27: {  	p1 =	sne.s32 s29, $0x13B80;
	[tilespmem:s30+$0x4200] =	vst v0;
	s31 =	smov.u32 s29;
	s29 =	sadd.s32 $0x80, s29  }
.Ltmp2:
0x28: {  	[tilespmem:s30+$0x4210] =	vst v0;
	(pc) =	sbr.rel @p1 .LBB2_2-.Ltmp2, $2  }
0x29: {  	_ =	sdelay $0x2  }
0x2a: {  	s30 =	sshra.s32 s31, $0x2  }
0x2b: {  	[tilespmem:s30+$0x4200] =	vst v0  }
0x2c: {  	[tilespmem:s30+$0x4210] =	vst v0  }
0x2d: {  	[spmem:s4] =	stream.linear.scatter [tilespmem:s16], [sflag:$0x1], $0x4F00, $0x38;
	[tilespmem:$0x12F00] =	vst v63  }
.Ltmp3:
0x2e: {  	_ =	swait.ge [sflag:s17], $0x4F00;
	(pc) =	sbr.rel @p0 .LBB2_9-.Ltmp3, $3  }
0x2f: {  	[sflag:s17] =	ssyncset.done $0x0  }
0x30: {  	[sflag:s17] =	ssyncadd.s32 $0xFFFFB100  }
0x31: {  	[bflag:$0x0] =	sbarrier.arrive $0xFFFF;
	_ =	sdelay $0x1  }
0x32: {  	[tilespmem:s3], [sflag:$0x1] =	stream.linear.gather [hbm4b:s12+s3], $0x200, $0x38;
	[tilespmem:$0x12F00] =	vst v63  }
0x33: {  	_ =	swait.ge [sflag:s17], $0x200  }
0x34: {  	[sflag:s17] =	ssyncset.done $0x0  }
0x35: {  	[sflag:s17] =	ssyncadd.s32 $0xFFFFFE00  }
0x36: {  	[tilespmem:s20], [sflag:$0x1] =	stream.strided.gather [hbm4b:s10+s18], $0x4000, s19, s18, $0x38;
	[tilespmem:$0x12F00] =	vst v63  }
0x37: {  	_ =	swait.ge [sflag:s17], $0x4000  }
0x38: {  	[sflag:s17] =	ssyncset.done $0x0  }
0x39: {  	[sflag:s17] =	ssyncadd.s32 $0xFFFFC000  }
0x3a: {  	[spmem:s2] =	stream.indirect.scatter.add.f32 [tilespmem:s20], [sflag:$0x1], $0x20, s3, s19, $0xb8;
	[tilespmem:$0x12F00] =	vst v63  }
0x3b: {  	_ =	swait.ge [sflag:s17], $0x1000  }
0x3c: {  	[sflag:s17] =	ssyncset.done $0x0  }
0x3d: {  	[sflag:s17] =	ssyncadd.s32 $0xFFFFF000  }
0x3e: {  	[spmem:s2] =	stream.indirect.scatter.add.f32 [tilespmem:s21], [sflag:$0x1], $0x20, s19, s19, $0xb8;
	[tilespmem:$0x12F00] =	vst v63  }
0x3f: {  	_ =	swait.ge [sflag:s17], $0x1000  }
0x40: {  	[sflag:s17] =	ssyncset.done $0x0  }
0x41: {  	[sflag:s17] =	ssyncadd.s32 $0xFFFFF000  }
0x42: {  	[spmem:s2] =	stream.indirect.scatter.add.f32 [tilespmem:s23], [sflag:$0x1], $0x20, s22, s19, $0xb8;
	[tilespmem:$0x12F00] =	vst v63  }
0x43: {  	p1 =	sne.s32 s5, $0x1;
	_ =	swait.ge [sflag:s17], $0x1000  }
.Ltmp4:
0x44: {  	[sflag:s17] =	ssyncset.done $0x0;
	(pc) =	sbr.rel @!p1 .LBB2_6-.Ltmp4, $4  }
0x45: {  	[sflag:s17] =	ssyncadd.s32 $0xFFFFF000  }
0x46: {  	[spmem:s2] =	stream.indirect.scatter.add.f32 [tilespmem:s25], [sflag:$0x1], $0x20, s24, s19, $0xb8;
	[tilespmem:$0x12F00] =	vst v63  }
0x47: {  	s29 =	sadd.s32 $0xFFFFFFFF, s5;
	_ =	swait.ge [sflag:s17], $0x1000  }
0x48: {  	s30 =	smov.u32 s12;
	s31 =	smov.u32 s10;
	[sflag:s17] =	ssyncset.done $0x0  }
.LBB2_5:
0x49: {  	[sflag:s17] =	ssyncadd.s32 $0xFFFFF000;
	s30 =	sadd.s32 $0x400, s30;
	s31 =	sadd.s32 $0x20000, s31  }
0x4a: {  	[tilespmem:s3], [sflag:$0x1] =	stream.linear.gather [hbm4b:s30+s3], $0x200, $0x38;
	[tilespmem:$0x12F00] =	vst v63  }
0x4b: {  	p1 =	sne.s32 s29, $0x1;
	s29 =	sadd.s32 $0xFFFFFFFF, s29;
	_ =	swait.ge [sflag:s17], $0x200  }
0x4c: {  	[sflag:s17] =	ssyncset.done $0x0  }
0x4d: {  	[sflag:s17] =	ssyncadd.s32 $0xFFFFFE00  }
0x4e: {  	[tilespmem:s20], [sflag:$0x1] =	stream.strided.gather [hbm4b:s31+s18], $0x4000, s19, s18, $0x38;
	[tilespmem:$0x12F00] =	vst v63  }
0x4f: {  	_ =	swait.ge [sflag:s17], $0x4000  }
0x50: {  	[sflag:s17] =	ssyncset.done $0x0  }
0x51: {  	[sflag:s17] =	ssyncadd.s32 $0xFFFFC000  }
0x52: {  	[spmem:s2] =	stream.indirect.scatter.add.f32 [tilespmem:s20], [sflag:$0x1], $0x20, s3, s19, $0xb8;
	[tilespmem:$0x12F00] =	vst v63  }
0x53: {  	_ =	swait.ge [sflag:s17], $0x1000  }
0x54: {  	[sflag:s17] =	ssyncset.done $0x0  }
0x55: {  	[sflag:s17] =	ssyncadd.s32 $0xFFFFF000  }
0x56: {  	[spmem:s2] =	stream.indirect.scatter.add.f32 [tilespmem:s21], [sflag:$0x1], $0x20, s19, s19, $0xb8;
	[tilespmem:$0x12F00] =	vst v63  }
0x57: {  	_ =	swait.ge [sflag:s17], $0x1000  }
0x58: {  	[sflag:s17] =	ssyncset.done $0x0  }
0x59: {  	[sflag:s17] =	ssyncadd.s32 $0xFFFFF000  }
0x5a: {  	[spmem:s2] =	stream.indirect.scatter.add.f32 [tilespmem:s23], [sflag:$0x1], $0x20, s22, s19, $0xb8;
	[tilespmem:$0x12F00] =	vst v63  }
0x5b: {  	_ =	swait.ge [sflag:s17], $0x1000  }
.Ltmp5:
0x5c: {  	[sflag:s17] =	ssyncset.done $0x0;
	(pc) =	sbr.rel @p1 .LBB2_5-.Ltmp5, $4  }
0x5d: {  	[sflag:s17] =	ssyncadd.s32 $0xFFFFF000  }
0x5e: {  	[spmem:s2] =	stream.indirect.scatter.add.f32 [tilespmem:s25], [sflag:$0x1], $0x20, s24, s19, $0xb8;
	[tilespmem:$0x12F00] =	vst v63  }
0x5f: {  	_ =	swait.ge [sflag:s17], $0x1000  }
0x60: {  	[sflag:s17] =	ssyncset.done $0x0  }
.LBB2_6:
0x61: {  	[sflag:s17] =	ssyncadd.s32 $0xFFFFF000  }
0x62: {  	[bflag:$0x0] =	sbarrier.arrive $0xFFFF  }
0x63: {  	[tilespmem:s26], [sflag:$0x1] =	stream.linear.gather [spmem:s4], $0x4F00, $0x38;
	[tilespmem:$0x12F00] =	vst v63  }
0x64: {  	_ =	swait.ge [sflag:s17], $0x4F00  }
0x65: {  	[sflag:s17] =	ssyncset.done $0x0  }
0x66: {  	[sflag:s17] =	ssyncadd.s32 $0xFFFFB100  }
0x67: {  	[hbm4b:s6+s3] =	stream.linear.scatter [tilespmem:s26], [sflag:$0x1], $0x4F00, $0x38;
	[tilespmem:$0x12F00] =	vst v63  }
0x68: {  	_ =	swait.ge [sflag:s17], $0x4F00  }
0x69: {  	[sflag:s17] =	ssyncset.done $0x0  }
0x6a: {  	[sflag:s17] =	ssyncadd.s32 $0xFFFFB100  }
0x6b: {  	[spmem:s4] =	stream.linear.scatter [tilespmem:s16], [sflag:$0x1], $0x4F00, $0x38;
	[tilespmem:$0x12F00] =	vst v63  }
0x6c: {  	_ =	swait.ge [sflag:s17], $0x4F00  }
0x6d: {  	[sflag:s17] =	ssyncset.done $0x0  }
0x6e: {  	[sflag:s17] =	ssyncadd.s32 $0xFFFFB100  }
0x6f: {  	[bflag:$0x0] =	sbarrier.arrive $0xFFFF  }
0x70: {  	[tilespmem:s3], [sflag:$0x1] =	stream.linear.gather [hbm4b:s12+s3], $0x200, $0x38;
	[tilespmem:$0x12F00] =	vst v63  }
0x71: {  	_ =	swait.ge [sflag:s17], $0x200  }
0x72: {  	[sflag:s17] =	ssyncset.done $0x0  }
0x73: {  	[sflag:s17] =	ssyncadd.s32 $0xFFFFFE00  }
0x74: {  	[tilespmem:s20], [sflag:$0x1] =	stream.strided.gather [hbm4b:s15+s18], $0x4000, s19, s18, $0x38;
	[tilespmem:$0x12F00] =	vst v63  }
0x75: {  	_ =	swait.ge [sflag:s17], $0x4000  }
0x76: {  	[sflag:s17] =	ssyncset.done $0x0  }
0x77: {  	[sflag:s17] =	ssyncadd.s32 $0xFFFFC000  }
0x78: {  	[spmem:s2] =	stream.indirect.scatter.add.f32 [tilespmem:s20], [sflag:$0x1], $0x20, s3, s19, $0xb8;
	[tilespmem:$0x12F00] =	vst v63  }
0x79: {  	_ =	swait.ge [sflag:s17], $0x1000  }
0x7a: {  	[sflag:s17] =	ssyncset.done $0x0  }
0x7b: {  	[sflag:s17] =	ssyncadd.s32 $0xFFFFF000  }
0x7c: {  	[spmem:s2] =	stream.indirect.scatter.add.f32 [tilespmem:s21], [sflag:$0x1], $0x20, s19, s19, $0xb8;
	[tilespmem:$0x12F00] =	vst v63  }
0x7d: {  	_ =	swait.ge [sflag:s17], $0x1000  }
0x7e: {  	[sflag:s17] =	ssyncset.done $0x0  }
0x7f: {  	[sflag:s17] =	ssyncadd.s32 $0xFFFFF000  }
0x80: {  	[spmem:s2] =	stream.indirect.scatter.add.f32 [tilespmem:s23], [sflag:$0x1], $0x20, s22, s19, $0xb8;
	[tilespmem:$0x12F00] =	vst v63  }
0x81: {  	p1 =	seq.s32 s5, $0x1;
	_ =	swait.ge [sflag:s17], $0x1000  }
.Ltmp6:
0x82: {  	[sflag:s17] =	ssyncset.done $0x0;
	(pc) =	sbr.rel @p1 .LBB2_8-.Ltmp6, $4  }
0x83: {  	[sflag:s17] =	ssyncadd.s32 $0xFFFFF000  }
0x84: {  	[spmem:s2] =	stream.indirect.scatter.add.f32 [tilespmem:s25], [sflag:$0x1], $0x20, s24, s19, $0xb8;
	[tilespmem:$0x12F00] =	vst v63  }
0x85: {  	s29 =	sadd.s32 $0xFFFFFFFF, s5;
	_ =	swait.ge [sflag:s17], $0x1000  }
0x86: {  	s30 =	smov.u32 s12;
	s31 =	smov.u32 s15;
	[sflag:s17] =	ssyncset.done $0x0  }
.LBB2_7:
0x87: {  	[sflag:s17] =	ssyncadd.s32 $0xFFFFF000;
	s30 =	sadd.s32 $0x400, s30;
	s31 =	sadd.s32 $0x20000, s31  }
0x88: {  	[tilespmem:s3], [sflag:$0x1] =	stream.linear.gather [hbm4b:s30+s3], $0x200, $0x38;
	[tilespmem:$0x12F00] =	vst v63  }
0x89: {  	p1 =	seq.s32 s29, $0x1;
	s29 =	sadd.s32 $0xFFFFFFFF, s29;
	_ =	swait.ge [sflag:s17], $0x200  }
0x8a: {  	[sflag:s17] =	ssyncset.done $0x0  }
0x8b: {  	[sflag:s17] =	ssyncadd.s32 $0xFFFFFE00  }
0x8c: {  	[tilespmem:s20], [sflag:$0x1] =	stream.strided.gather [hbm4b:s31+s18], $0x4000, s19, s18, $0x38;
	[tilespmem:$0x12F00] =	vst v63  }
0x8d: {  	_ =	swait.ge [sflag:s17], $0x4000  }
0x8e: {  	[sflag:s17] =	ssyncset.done $0x0  }
0x8f: {  	[sflag:s17] =	ssyncadd.s32 $0xFFFFC000  }
0x90: {  	[spmem:s2] =	stream.indirect.scatter.add.f32 [tilespmem:s20], [sflag:$0x1], $0x20, s3, s19, $0xb8;
	[tilespmem:$0x12F00] =	vst v63  }
0x91: {  	_ =	swait.ge [sflag:s17], $0x1000  }
0x92: {  	[sflag:s17] =	ssyncset.done $0x0  }
0x93: {  	[sflag:s17] =	ssyncadd.s32 $0xFFFFF000  }
0x94: {  	[spmem:s2] =	stream.indirect.scatter.add.f32 [tilespmem:s21], [sflag:$0x1], $0x20, s19, s19, $0xb8;
	[tilespmem:$0x12F00] =	vst v63  }
0x95: {  	_ =	swait.ge [sflag:s17], $0x1000  }
0x96: {  	[sflag:s17] =	ssyncset.done $0x0  }
0x97: {  	[sflag:s17] =	ssyncadd.s32 $0xFFFFF000  }
0x98: {  	[spmem:s2] =	stream.indirect.scatter.add.f32 [tilespmem:s23], [sflag:$0x1], $0x20, s22, s19, $0xb8;
	[tilespmem:$0x12F00] =	vst v63  }
0x99: {  	_ =	swait.ge [sflag:s17], $0x1000  }
.Ltmp7:
0x9a: {  	[sflag:s17] =	ssyncset.done $0x0;
	(pc) =	sbr.rel @!p1 .LBB2_7-.Ltmp7, $4  }
0x9b: {  	[sflag:s17] =	ssyncadd.s32 $0xFFFFF000  }
0x9c: {  	[spmem:s2] =	stream.indirect.scatter.add.f32 [tilespmem:s25], [sflag:$0x1], $0x20, s24, s19, $0xb8;
	[tilespmem:$0x12F00] =	vst v63  }
0x9d: {  	_ =	swait.ge [sflag:s17], $0x1000  }
0x9e: {  	[sflag:s17] =	ssyncset.done $0x0  }
.LBB2_8:
0x9f: {  	[sflag:s17] =	ssyncadd.s32 $0xFFFFF000  }
0xa0: {  	[bflag:$0x0] =	sbarrier.arrive $0xFFFF  }
0xa1: {  	[tilespmem:s26], [sflag:$0x1] =	stream.linear.gather [spmem:s4], $0x4F00, $0x38;
	[tilespmem:$0x12F00] =	vst v63  }
0xa2: {  	_ =	swait.ge [sflag:s17], $0x4F00  }
0xa3: {  	[sflag:s17] =	ssyncset.done $0x0  }
0xa4: {  	[sflag:s17] =	ssyncadd.s32 $0xFFFFB100  }
0xa5: {  	[hbm4b:s7+s3] =	stream.linear.scatter [tilespmem:s26], [sflag:$0x1], $0x4F00, $0x38;
	[tilespmem:$0x12F00] =	vst v63  }
0xa6: {  	_ =	swait.ge [sflag:s17], $0x4F00  }
0xa7: {  	[sflag:s17] =	ssyncset.done $0x0  }
0xa8: {  	[sflag:s17] =	ssyncadd.s32 $0xFFFFB100  }
0xa9: {  	[spmem:s4] =	stream.linear.scatter [tilespmem:s16], [sflag:$0x1], $0x4F00, $0x38;
	[tilespmem:$0x12F00] =	vst v63  }
0xaa: {  	_ =	swait.ge [sflag:s17], $0x4F00  }
0xab: {  	[sflag:s17] =	ssyncset.done $0x0  }
0xac: {  	[sflag:s17] =	ssyncadd.s32 $0xFFFFB100  }
.Ltmp8:
0xad: {  	[bflag:$0x0] =	sbarrier.arrive $0xFFFF;
	(pc) =	sbr.rel .LBB2_14-.Ltmp8, $3  }
0xae: {  	[bflag:$0x0] =	sbarrier.arrive $0xFFFF  }
0xaf: {  	[bflag:$0x0] =	sbarrier.arrive $0xFFFF  }
0xb0: {  	[bflag:$0x0] =	sbarrier.arrive $0xFFFF;
	_ =	sdelay $0x1  }
.LBB2_9:
0xb1: {  	[bflag:$0x0] =	sbarrier.arrive $0xFFFF  }
0xb2: {  	[bflag:$0x0] =	sbarrier.arrive $0xFFFF  }
0xb3: {  	[bflag:$0x0] =	sbarrier.arrive $0xFFFF  }
0xb4: {  	[bflag:$0x0] =	sbarrier.arrive $0xFFFF  }
0xb5: {  	[tilespmem:s3], [sflag:$0x1] =	stream.linear.gather [hbm4b:s12+s3], $0x200, $0x38;
	[tilespmem:$0x12F00] =	vst v63  }
0xb6: {  	_ =	swait.ge [sflag:s17], $0x200  }
0xb7: {  	[sflag:s17] =	ssyncset.done $0x0  }
0xb8: {  	[sflag:s17] =	ssyncadd.s32 $0xFFFFFE00  }
0xb9: {  	[tilespmem:s20], [sflag:$0x1] =	stream.strided.gather [hbm4b:s13+s18], $0x4000, s19, s18, $0x38;
	[tilespmem:$0x12F00] =	vst v63  }
0xba: {  	_ =	swait.ge [sflag:s17], $0x4000  }
0xbb: {  	[sflag:s17] =	ssyncset.done $0x0  }
0xbc: {  	[sflag:s17] =	ssyncadd.s32 $0xFFFFC000  }
0xbd: {  	[spmem:s2] =	stream.indirect.scatter.add.f32 [tilespmem:s20], [sflag:$0x1], $0x20, s3, s19, $0xb8;
	[tilespmem:$0x12F00] =	vst v63  }
0xbe: {  	_ =	swait.ge [sflag:s17], $0x1000  }
0xbf: {  	[sflag:s17] =	ssyncset.done $0x0  }
0xc0: {  	[sflag:s17] =	ssyncadd.s32 $0xFFFFF000  }
0xc1: {  	[spmem:s2] =	stream.indirect.scatter.add.f32 [tilespmem:s21], [sflag:$0x1], $0x20, s19, s19, $0xb8;
	[tilespmem:$0x12F00] =	vst v63  }
0xc2: {  	_ =	swait.ge [sflag:s17], $0x1000  }
0xc3: {  	[sflag:s17] =	ssyncset.done $0x0  }
0xc4: {  	[sflag:s17] =	ssyncadd.s32 $0xFFFFF000  }
0xc5: {  	[spmem:s2] =	stream.indirect.scatter.add.f32 [tilespmem:s23], [sflag:$0x1], $0x20, s22, s19, $0xb8;
	[tilespmem:$0x12F00] =	vst v63  }
0xc6: {  	p1 =	sne.s32 s5, $0x1;
	_ =	swait.ge [sflag:s17], $0x1000  }
.Ltmp9:
0xc7: {  	[sflag:s17] =	ssyncset.done $0x0;
	(pc) =	sbr.rel @!p1 .LBB2_11-.Ltmp9, $4  }
0xc8: {  	[sflag:s17] =	ssyncadd.s32 $0xFFFFF000  }
0xc9: {  	[spmem:s2] =	stream.indirect.scatter.add.f32 [tilespmem:s25], [sflag:$0x1], $0x20, s24, s19, $0xb8;
	[tilespmem:$0x12F00] =	vst v63  }
0xca: {  	s29 =	sadd.s32 $0xFFFFFFFF, s5;
	_ =	swait.ge [sflag:s17], $0x1000  }
0xcb: {  	s30 =	smov.u32 s12;
	s31 =	smov.u32 s13;
	[sflag:s17] =	ssyncset.done $0x0  }
.LBB2_10:
0xcc: {  	[sflag:s17] =	ssyncadd.s32 $0xFFFFF000;
	s30 =	sadd.s32 $0x400, s30;
	s31 =	sadd.s32 $0x20000, s31  }
0xcd: {  	[tilespmem:s3], [sflag:$0x1] =	stream.linear.gather [hbm4b:s30+s3], $0x200, $0x38;
	[tilespmem:$0x12F00] =	vst v63  }
0xce: {  	p1 =	sne.s32 s29, $0x1;
	s29 =	sadd.s32 $0xFFFFFFFF, s29;
	_ =	swait.ge [sflag:s17], $0x200  }
0xcf: {  	[sflag:s17] =	ssyncset.done $0x0  }
0xd0: {  	[sflag:s17] =	ssyncadd.s32 $0xFFFFFE00  }
0xd1: {  	[tilespmem:s20], [sflag:$0x1] =	stream.strided.gather [hbm4b:s31+s18], $0x4000, s19, s18, $0x38;
	[tilespmem:$0x12F00] =	vst v63  }
0xd2: {  	_ =	swait.ge [sflag:s17], $0x4000  }
0xd3: {  	[sflag:s17] =	ssyncset.done $0x0  }
0xd4: {  	[sflag:s17] =	ssyncadd.s32 $0xFFFFC000  }
0xd5: {  	[spmem:s2] =	stream.indirect.scatter.add.f32 [tilespmem:s20], [sflag:$0x1], $0x20, s3, s19, $0xb8;
	[tilespmem:$0x12F00] =	vst v63  }
0xd6: {  	_ =	swait.ge [sflag:s17], $0x1000  }
0xd7: {  	[sflag:s17] =	ssyncset.done $0x0  }
0xd8: {  	[sflag:s17] =	ssyncadd.s32 $0xFFFFF000  }
0xd9: {  	[spmem:s2] =	stream.indirect.scatter.add.f32 [tilespmem:s21], [sflag:$0x1], $0x20, s19, s19, $0xb8;
	[tilespmem:$0x12F00] =	vst v63  }
0xda: {  	_ =	swait.ge [sflag:s17], $0x1000  }
0xdb: {  	[sflag:s17] =	ssyncset.done $0x0  }
0xdc: {  	[sflag:s17] =	ssyncadd.s32 $0xFFFFF000  }
0xdd: {  	[spmem:s2] =	stream.indirect.scatter.add.f32 [tilespmem:s23], [sflag:$0x1], $0x20, s22, s19, $0xb8;
	[tilespmem:$0x12F00] =	vst v63  }
0xde: {  	_ =	swait.ge [sflag:s17], $0x1000  }
.Ltmp10:
0xdf: {  	[sflag:s17] =	ssyncset.done $0x0;
	(pc) =	sbr.rel @p1 .LBB2_10-.Ltmp10, $4  }
0xe0: {  	[sflag:s17] =	ssyncadd.s32 $0xFFFFF000  }
0xe1: {  	[spmem:s2] =	stream.indirect.scatter.add.f32 [tilespmem:s25], [sflag:$0x1], $0x20, s24, s19, $0xb8;
	[tilespmem:$0x12F00] =	vst v63  }
0xe2: {  	_ =	swait.ge [sflag:s17], $0x1000  }
0xe3: {  	[sflag:s17] =	ssyncset.done $0x0  }
.LBB2_11:
0xe4: {  	[sflag:s17] =	ssyncadd.s32 $0xFFFFF000  }
0xe5: {  	[bflag:$0x0] =	sbarrier.arrive $0xFFFF  }
0xe6: {  	[tilespmem:s26], [sflag:$0x1] =	stream.linear.gather [spmem:s4], $0x4F00, $0x38;
	[tilespmem:$0x12F00] =	vst v63  }
0xe7: {  	_ =	swait.ge [sflag:s17], $0x4F00  }
0xe8: {  	[sflag:s17] =	ssyncset.done $0x0  }
0xe9: {  	[sflag:s17] =	ssyncadd.s32 $0xFFFFB100  }
0xea: {  	[hbm4b:s8+s3] =	stream.linear.scatter [tilespmem:s26], [sflag:$0x1], $0x4F00, $0x38;
	[tilespmem:$0x12F00] =	vst v63  }
0xeb: {  	_ =	swait.ge [sflag:s17], $0x4F00  }
0xec: {  	[sflag:s17] =	ssyncset.done $0x0  }
0xed: {  	[sflag:s17] =	ssyncadd.s32 $0xFFFFB100  }
0xee: {  	[spmem:s4] =	stream.linear.scatter [tilespmem:s16], [sflag:$0x1], $0x4F00, $0x38;
	[tilespmem:$0x12F00] =	vst v63  }
0xef: {  	_ =	swait.ge [sflag:s17], $0x4F00  }
0xf0: {  	[sflag:s17] =	ssyncset.done $0x0  }
0xf1: {  	[sflag:s17] =	ssyncadd.s32 $0xFFFFB100  }
0xf2: {  	[bflag:$0x0] =	sbarrier.arrive $0xFFFF  }
0xf3: {  	[tilespmem:s3], [sflag:$0x1] =	stream.linear.gather [hbm4b:s12+s3], $0x200, $0x38;
	[tilespmem:$0x12F00] =	vst v63  }
0xf4: {  	_ =	swait.ge [sflag:s17], $0x200  }
0xf5: {  	[sflag:s17] =	ssyncset.done $0x0  }
0xf6: {  	[sflag:s17] =	ssyncadd.s32 $0xFFFFFE00  }
0xf7: {  	[tilespmem:s20], [sflag:$0x1] =	stream.strided.gather [hbm4b:s14+s18], $0x4000, s19, s18, $0x38;
	[tilespmem:$0x12F00] =	vst v63  }
0xf8: {  	_ =	swait.ge [sflag:s17], $0x4000  }
0xf9: {  	[sflag:s17] =	ssyncset.done $0x0  }
0xfa: {  	[sflag:s17] =	ssyncadd.s32 $0xFFFFC000  }
0xfb: {  	[spmem:s2] =	stream.indirect.scatter.add.f32 [tilespmem:s20], [sflag:$0x1], $0x20, s3, s19, $0xb8;
	[tilespmem:$0x12F00] =	vst v63  }
0xfc: {  	_ =	swait.ge [sflag:s17], $0x1000  }
0xfd: {  	[sflag:s17] =	ssyncset.done $0x0  }
0xfe: {  	[sflag:s17] =	ssyncadd.s32 $0xFFFFF000  }
0xff: {  	[spmem:s2] =	stream.indirect.scatter.add.f32 [tilespmem:s21], [sflag:$0x1], $0x20, s19, s19, $0xb8;
	[tilespmem:$0x12F00] =	vst v63  }
0x100: {  	_ =	swait.ge [sflag:s17], $0x1000  }
0x101: {  	[sflag:s17] =	ssyncset.done $0x0  }
0x102: {  	[sflag:s17] =	ssyncadd.s32 $0xFFFFF000  }
0x103: {  	[spmem:s2] =	stream.indirect.scatter.add.f32 [tilespmem:s23], [sflag:$0x1], $0x20, s22, s19, $0xb8;
	[tilespmem:$0x12F00] =	vst v63  }
0x104: {  	p1 =	seq.s32 s5, $0x1;
	_ =	swait.ge [sflag:s17], $0x1000  }
.Ltmp11:
0x105: {  	[sflag:s17] =	ssyncset.done $0x0;
	(pc) =	sbr.rel @p1 .LBB2_13-.Ltmp11, $4  }
0x106: {  	[sflag:s17] =	ssyncadd.s32 $0xFFFFF000  }
0x107: {  	[spmem:s2] =	stream.indirect.scatter.add.f32 [tilespmem:s25], [sflag:$0x1], $0x20, s24, s19, $0xb8;
	[tilespmem:$0x12F00] =	vst v63  }
0x108: {  	s29 =	sadd.s32 $0xFFFFFFFF, s5;
	_ =	swait.ge [sflag:s17], $0x1000  }
0x109: {  	s30 =	smov.u32 s12;
	s31 =	smov.u32 s14;
	[sflag:s17] =	ssyncset.done $0x0  }
.LBB2_12:
0x10a: {  	[sflag:s17] =	ssyncadd.s32 $0xFFFFF000;
	s30 =	sadd.s32 $0x400, s30;
	s31 =	sadd.s32 $0x20000, s31  }
0x10b: {  	[tilespmem:s3], [sflag:$0x1] =	stream.linear.gather [hbm4b:s30+s3], $0x200, $0x38;
	[tilespmem:$0x12F00] =	vst v63  }
0x10c: {  	p1 =	seq.s32 s29, $0x1;
	s29 =	sadd.s32 $0xFFFFFFFF, s29;
	_ =	swait.ge [sflag:s17], $0x200  }
0x10d: {  	[sflag:s17] =	ssyncset.done $0x0  }
0x10e: {  	[sflag:s17] =	ssyncadd.s32 $0xFFFFFE00  }
0x10f: {  	[tilespmem:s20], [sflag:$0x1] =	stream.strided.gather [hbm4b:s31+s18], $0x4000, s19, s18, $0x38;
	[tilespmem:$0x12F00] =	vst v63  }
0x110: {  	_ =	swait.ge [sflag:s17], $0x4000  }
0x111: {  	[sflag:s17] =	ssyncset.done $0x0  }
0x112: {  	[sflag:s17] =	ssyncadd.s32 $0xFFFFC000  }
0x113: {  	[spmem:s2] =	stream.indirect.scatter.add.f32 [tilespmem:s20], [sflag:$0x1], $0x20, s3, s19, $0xb8;
	[tilespmem:$0x12F00] =	vst v63  }
0x114: {  	_ =	swait.ge [sflag:s17], $0x1000  }
0x115: {  	[sflag:s17] =	ssyncset.done $0x0  }
0x116: {  	[sflag:s17] =	ssyncadd.s32 $0xFFFFF000  }
0x117: {  	[spmem:s2] =	stream.indirect.scatter.add.f32 [tilespmem:s21], [sflag:$0x1], $0x20, s19, s19, $0xb8;
	[tilespmem:$0x12F00] =	vst v63  }
0x118: {  	_ =	swait.ge [sflag:s17], $0x1000  }
0x119: {  	[sflag:s17] =	ssyncset.done $0x0  }
0x11a: {  	[sflag:s17] =	ssyncadd.s32 $0xFFFFF000  }
0x11b: {  	[spmem:s2] =	stream.indirect.scatter.add.f32 [tilespmem:s23], [sflag:$0x1], $0x20, s22, s19, $0xb8;
	[tilespmem:$0x12F00] =	vst v63  }
0x11c: {  	_ =	swait.ge [sflag:s17], $0x1000  }
.Ltmp12:
0x11d: {  	[sflag:s17] =	ssyncset.done $0x0;
	(pc) =	sbr.rel @!p1 .LBB2_12-.Ltmp12, $4  }
0x11e: {  	[sflag:s17] =	ssyncadd.s32 $0xFFFFF000  }
0x11f: {  	[spmem:s2] =	stream.indirect.scatter.add.f32 [tilespmem:s25], [sflag:$0x1], $0x20, s24, s19, $0xb8;
	[tilespmem:$0x12F00] =	vst v63  }
0x120: {  	_ =	swait.ge [sflag:s17], $0x1000  }
0x121: {  	[sflag:s17] =	ssyncset.done $0x0  }
.Ltmp13:
0x122: {  	_ = 	snop;
	(pc) =	sbr.rel .LBB2_13-.Ltmp13, $1  }
0x123: {  	_ =	sdelay $0x3  }
.LBB2_15:
0x124: {  	_ =	sfence.sel $0x180000  }
0x125: {  	[bflag:$0x0] =	sbarrier.arrive $0xFFFF  }
0x126: {  	p0 =	sne.s32 s1, $0x0;
	_ =	strace $0x90000047  }
0x127: {  	s0 =	sadd.s32 @!p0 $0x100000, s0;
	[bflag:$0x2] =	sbarrier.arrive $0xFFFF  }
0x128: {  	[sflag:s0] =	ssyncadd.tile.s32 @!p0 $0x1;
	_ =	shalt  }
.Lfunc_end2:
_tile_overlayer_lowered:
.L_overlay_start_2:
0x129: {  	(tag) =	ssettag $0x2  }
0x12a: {  	s0 =	rddreg [dreg:$0x0];
	s2 =	stileid.u32  }
0x12b: {  	s1 =	rddreg [dreg:$0x1];
	p0 =	sne.s32 s2, $0x0  }
0x12c: {  	s3 =	rddreg [dreg:$0x2];
	[bflag:$0x3] =	sbarrier.arrive $0xFFFF;
	s2 =	simm.s32 @!p0 $0x1C01  }
0x12d: {  	[timem:s3], [sflag:s2] =	dma.local @!p0 [hbm:s0], s1  }
0x12e: {  	s0 =	simm.s32 @!p0 $0x1  }
0x12f: {  	_ =	swait.ge @!p0 [sflag:s0], s1  }
0x130: {  	s1 =	ssub.s32 @!p0 $0x0, s1;
	[sflag:s0] =	ssyncset.done @!p0 $0x0  }
0x131: {  	[sflag:s0] =	ssyncadd.s32 @!p0 s1  }
0x132: {  	[bflag:$0x3] =	sbarrier.arrive $0xFFFF  }
0x133: {  	_ =	shalt  }

</sc_bundles>
